<compile_context>
chip_gen: v7x
topology: tpu7x:2x2x1
jax: 0.10.2.dev20260603
libtpu: 0.0.44.dev20260713+nightly
codegen_flags: <defaults>
</compile_context>

<pallas_src>
import functools

import jax
import jax.numpy as jnp
from jax import lax
from jax.experimental import pallas as pl
from jax.experimental.pallas import tpu as pltpu
from jax.experimental.pallas import tpu_sc as plsc

_B = 16
_T = 1024
_N = _B * _T
_IN = 512
_LAT = 256
_TN = 1024
_TR = 1024


def _factor(z, z2, cbn_row, cb, jjf):
    zn = jnp.sum(z * z, axis=1, keepdims=True)
    mm2 = lax.dot_general(z2, cb, (((1,), (1,)), ((), ())),
                          preferred_element_type=jnp.float32)
    d = (zn + cbn_row) - mm2
    dmin = jnp.min(d, axis=1, keepdims=True)
    idxf = jnp.min(jnp.where(d == dmin, jjf, float(d.shape[1])), axis=1)
    return idxf.astype(jnp.int32), jnp.sum(dmin)


def _body1(x_ref, Wall_ref, ball_ref, cbc_ref, cbp_ref, cbt_ref,
           ci_ref, pi_ref, ti_ref, parts_ref, cbn_ref):
    @pl.when(pl.program_id(0) == 0)
    def _init():
        cbn_ref[0:1, :1024] = jnp.sum(cbc_ref[...] * cbc_ref[...],
                                      axis=1).reshape(1, 1024)
        cbn_ref[1:2, :1024] = jnp.sum(cbp_ref[...] * cbp_ref[...],
                                      axis=1).reshape(1, 1024)
        cbn_ref[2:3, :512] = jnp.sum(cbt_ref[...] * cbt_ref[...],
                                     axis=1).reshape(1, 512)

    x = x_ref[...]
    z_all = jnp.dot(x, Wall_ref[...],
                    preferred_element_type=jnp.float32) + ball_ref[...]
    z2_all = z_all + z_all
    jjf = lax.broadcasted_iota(jnp.int32, (_TN, 1024), 1).astype(jnp.float32)
    jjf_t = lax.broadcasted_iota(jnp.int32, (_TN, 512), 1).astype(jnp.float32)
    ic, s_c = _factor(z_all[:, :_LAT], z2_all[:, :_LAT],
                      cbn_ref[0:1, :1024], cbc_ref[...], jjf)
    ip, s_p = _factor(z_all[:, _LAT:2 * _LAT], z2_all[:, _LAT:2 * _LAT],
                      cbn_ref[1:2, :1024], cbp_ref[...], jjf)
    it, s_t = _factor(z_all[:, 2 * _LAT:], z2_all[:, 2 * _LAT:],
                      cbn_ref[2:3, :512], cbt_ref[...], jjf_t)
    ci_ref[...] = ic.reshape(1, 1, _TN)
    pi_ref[...] = ip.reshape(1, 1, _TN)
    ti_ref[...] = it.reshape(1, 1, _TN)
    rr = lax.broadcasted_iota(jnp.int32, (3, 128), 0)
    parts = jnp.where(rr == 0, s_c, jnp.where(rr == 1, s_p, s_t))
    parts_ref[...] = parts.reshape(1, 3, 128)


def _distance_argmin(xf, Wall, ball, cb_c, cb_p, cb_t):
    g = _N // _TN
    full = lambda shape: pl.BlockSpec(shape, lambda i: (0,) * len(shape))
    out_shapes = (
        jax.ShapeDtypeStruct((g, 1, _TN), jnp.int32),
        jax.ShapeDtypeStruct((g, 1, _TN), jnp.int32),
        jax.ShapeDtypeStruct((g, 1, _TN), jnp.int32),
        jax.ShapeDtypeStruct((g, 3, 128), jnp.float32),
    )
    in_specs = [
        pl.BlockSpec((_TN, _IN), lambda i: (i, 0)),
        full((_IN, 3 * _LAT)), full((1, 3 * _LAT)),
        full((1024, _LAT)), full((1024, _LAT)), full((512, _LAT)),
    ]
    out_specs = (
        pl.BlockSpec((1, 1, _TN), lambda i: (i, 0, 0)),
        pl.BlockSpec((1, 1, _TN), lambda i: (i, 0, 0)),
        pl.BlockSpec((1, 1, _TN), lambda i: (i, 0, 0)),
        pl.BlockSpec((1, 3, 128), lambda i: (i, 0, 0)),
    )
    return pl.pallas_call(
        _body1,
        grid=(g,),
        in_specs=in_specs,
        out_specs=out_specs,
        out_shape=out_shapes,
        scratch_shapes=[pltpu.VMEM((3, 1024), jnp.float32)],
        compiler_params=pltpu.CompilerParams(
            dimension_semantics=("arbitrary",)),
    )(xf, Wall, ball, cb_c, cb_p, cb_t)


_NW = 32
_PW = _N // _NW
_CH = 128


def _sc_gather(cb_c, cb_p, cb_t, ci, pi, ti):
    mesh = plsc.VectorSubcoreMesh(core_axis_name="c", subcore_axis_name="s")

    @functools.partial(
        pl.kernel, mesh=mesh,
        out_type=(
            jax.ShapeDtypeStruct((_N, _LAT), jnp.float32),
            jax.ShapeDtypeStruct((_N, _LAT), jnp.float32),
            jax.ShapeDtypeStruct((_N, _LAT), jnp.float32),
        ),
        scratch_types=[
            pltpu.VMEM((_CH,), jnp.int32),
            pltpu.VMEM((_CH, _LAT), jnp.float32),
            pltpu.SemaphoreType.DMA,
        ],
    )
    def k(cbc_hbm, cbp_hbm, cbt_hbm, ci_hbm, pi_hbm, ti_hbm,
          zcq_hbm, zpq_hbm, ztq_hbm, idx_v, rows_v, sem):
        wid = lax.axis_index("s") * 2 + lax.axis_index("c")
        base = wid * _PW
        for tab, idx_hbm, out_hbm in (
                (cbc_hbm, ci_hbm, zcq_hbm),
                (cbp_hbm, pi_hbm, zpq_hbm),
                (cbt_hbm, ti_hbm, ztq_hbm)):
            for c in range(_PW // _CH):
                off = base + c * _CH
                pltpu.sync_copy(idx_hbm.at[pl.ds(off, _CH)], idx_v)
                pltpu.async_copy(tab.at[idx_v], rows_v, sem).wait()
                pltpu.sync_copy(rows_v, out_hbm.at[pl.ds(off, _CH)])

    return k(cb_c, cb_p, cb_t, ci, pi, ti)


def _body3(zcq_ref, zpq_ref, ztq_ref, Wrc_ref, Wrp_ref, Wrt_ref, br_ref,
           xr_ref):
    a = jnp.dot(zcq_ref[...].astype(jnp.bfloat16), Wrc_ref[...],
                preferred_element_type=jnp.float32)
    b = jnp.dot(zpq_ref[...].astype(jnp.bfloat16), Wrp_ref[...],
                preferred_element_type=jnp.float32)
    c = jnp.dot(ztq_ref[...].astype(jnp.bfloat16), Wrt_ref[...],
                preferred_element_type=jnp.float32)
    xr_ref[...] = ((a + b) + c) + br_ref[...]


def _recon(zcq, zpq, ztq, Wr16, br):
    g = _N // _TR
    full = lambda shape: pl.BlockSpec(shape, lambda i: (0,) * len(shape))
    tok = pl.BlockSpec((_TR, _LAT), lambda i: (i, 0))
    return pl.pallas_call(
        _body3,
        grid=(g,),
        in_specs=[tok, tok, tok,
                  full((_LAT, _IN)), full((_LAT, _IN)), full((_LAT, _IN)),
                  full((1, _IN))],
        out_specs=pl.BlockSpec((_TR, _IN), lambda i: (i, 0)),
        out_shape=jax.ShapeDtypeStruct((_N, _IN), jnp.float32),
        compiler_params=pltpu.CompilerParams(
            dimension_semantics=("arbitrary",)),
    )(zcq, zpq, ztq, Wr16[:_LAT], Wr16[_LAT:2 * _LAT], Wr16[2 * _LAT:],
      br.reshape(1, _IN))


@jax.jit
def kernel(x, Wc, bc, Wp, bp, Wt, bt, cb_c, cb_p, cb_t, Wr, br):
    xf = x.reshape(_N, _IN)
    ci, pi, ti, parts = _distance_argmin(
        xf,
        jnp.concatenate([Wc, Wp, Wt], axis=1),
        jnp.concatenate([bc, bp, bt]).reshape(1, 3 * _LAT),
        cb_c, cb_p, cb_t)
    cif, pif, tif = (ci.reshape(_N), pi.reshape(_N), ti.reshape(_N))
    zcq, zpq, ztq = _sc_gather(cb_c, cb_p, cb_t, cif, pif, tif)
    xr = _recon(zcq, zpq, ztq, Wr.astype(jnp.bfloat16), br)
    sums = parts[:, :, 0].sum(axis=0)
    mse_mean = (sums[0] + sums[1] + sums[2]) / (3.0 * _N * _LAT)
    vq_loss = mse_mean + 0.25 * mse_mean
    return (xr.reshape(_B, _T, _IN), vq_loss,
            cif.reshape(_B, _T), pif.reshape(_B, _T), tif.reshape(_B, _T),
            zcq.reshape(_B, _T, _LAT), zpq.reshape(_B, _T, _LAT),
            ztq.reshape(_B, _T, _LAT))

# --- scband reference (transcript-rebuilt; emitter-appended) ---
"""Pipeline reference for scband-factorized-vector-quantizer-51110110822812 (READ-ONLY COPY).

The authoritative reference and input builder live on the scoring server;
editing this copy changes nothing except your own understanding.
"""

import jax, jax.numpy as jnp
import numpy as np

IN_CH = 512
LAT = 256
CV = 1024
PV = 1024
TV = 512
B = 16
T = 1024

def setup_inputs(seed: int = 0):
    key = jax.random.key(seed)
    ks = jax.random.split(key, 13)
    s = 1.0 / np.sqrt(IN_CH)
    sr = 1.0 / np.sqrt(3 * LAT)
    x = jax.random.normal(ks[0], (B, T, IN_CH), dtype=jnp.float32)
    Wc = jax.random.uniform(ks[1], (IN_CH, LAT), minval=-s, maxval=s, dtype=jnp.float32)
    bc = jax.random.uniform(ks[2], (LAT,), minval=-s, maxval=s, dtype=jnp.float32)
    Wp = jax.random.uniform(ks[3], (IN_CH, LAT), minval=-s, maxval=s, dtype=jnp.float32)
    bp = jax.random.uniform(ks[4], (LAT,), minval=-s, maxval=s, dtype=jnp.float32)
    Wt = jax.random.uniform(ks[5], (IN_CH, LAT), minval=-s, maxval=s, dtype=jnp.float32)
    bt = jax.random.uniform(ks[6], (LAT,), minval=-s, maxval=s, dtype=jnp.float32)
    cb_c = jax.random.uniform(ks[7], (CV, LAT), minval=-1.0 / CV, maxval=1.0 / CV, dtype=jnp.float32)
    cb_p = jax.random.uniform(ks[8], (PV, LAT), minval=-1.0 / PV, maxval=1.0 / PV, dtype=jnp.float32)
    cb_t = jax.random.uniform(ks[9], (TV, LAT), minval=-1.0 / TV, maxval=1.0 / TV, dtype=jnp.float32)
    Wr = jax.random.uniform(ks[10], (3 * LAT, IN_CH), minval=-sr, maxval=sr, dtype=jnp.float32)
    br = jax.random.uniform(ks[11], (IN_CH,), minval=-sr, maxval=sr, dtype=jnp.float32)
    return {"x": x, "Wc": Wc, "bc": bc, "Wp": Wp, "bp": bp, "Wt": Wt, "bt": bt, "cb_c": cb_c, "cb_p": cb_p, "cb_t": cb_t, "Wr": Wr, "br": br}

def _quantize(z, codebook):
    z_flat = z.reshape(-1, z.shape[-1])
    d = jnp.sum(z_flat ** 2, axis=1, keepdims=True) + jnp.sum(codebook ** 2, axis=1) - 2.0 * (z_flat @ codebook.T)
    idx = jnp.argmin(d, axis=1)
    z_q = jnp.take(codebook, idx, axis=0).reshape(z.shape)
    idx = idx.reshape(z.shape[:-1])
    z_q = z + jax.lax.stop_gradient(z_q - z)
    return z_q, idx

def reference(x, Wc, bc, Wp, bp, Wt, bt, cb_c, cb_p, cb_t, Wr, br):
    z_c = x @ Wc + bc
    z_p = x @ Wp + bp
    z_t = x @ Wt + bt
    zcq, ci = _quantize(z_c, cb_c)
    zpq, pi = _quantize(z_p, cb_p)
    ztq, ti = _quantize(z_t, cb_t)
    z_q = jnp.concatenate([zcq, zpq, ztq], axis=-1)
    x_recon = z_q @ Wr + br
    mse = lambda a, b: jnp.mean((a - b) ** 2)
    sg = jax.lax.stop_gradient
    commitment_loss = (mse(z_c, sg(zcq)) + mse(z_p, sg(zpq)) + mse(z_t, sg(ztq))) / 3.0
    codebook_loss = (mse(sg(z_c), zcq) + mse(sg(z_p), zpq) + mse(sg(z_t), ztq)) / 3.0
    vq_loss = codebook_loss + 0.25 * commitment_loss
    return (x_recon, vq_loss, ci, pi, ti, zcq, zpq, ztq)

if __name__ == "__main__":
    import jax
    _d = setup_inputs()
    print(jax.jit(kernel)(*tuple(_d.values())))

</pallas_src>

<mosaic_0001>
#map = affine_map<(d0, d1) -> (0, 0)>
#map1 = affine_map<(d0, d1) -> (0)>
module attributes {stable_mosaic.version = 14 : i64} {
  func.func @k(%arg0: i32, %arg1: i32, %arg2: memref<1024x256xf32, #tpu.memory_space<hbm>>, %arg3: memref<1024x256xf32, #tpu.memory_space<hbm>>, %arg4: memref<512x256xf32, #tpu.memory_space<hbm>>, %arg5: memref<16384xi32, #tpu.memory_space<hbm>>, %arg6: memref<16384xi32, #tpu.memory_space<hbm>>, %arg7: memref<16384xi32, #tpu.memory_space<hbm>>, %arg8: memref<16384x256xf32, #tpu.memory_space<hbm>>, %arg9: memref<16384x256xf32, #tpu.memory_space<hbm>>, %arg10: memref<16384x256xf32, #tpu.memory_space<hbm>>, %arg11: memref<128xi32, #tpu.memory_space<vmem>>, %arg12: memref<128x256xf32, #tpu.memory_space<vmem>>, %arg13: memref<!tpu.dma_semaphore, #tpu.memory_space<semaphore_mem>>) attributes {dimension_semantics = [#tpu.dimension_semantics<core_parallel>, #tpu.dimension_semantics<subcore_parallel>], iteration_bounds = array<i64: 2, 16>, scalar_prefetch = 0 : i64, scratch_operands = 3 : i64, tpu.core_type = #tpu.core_type<sc_vector_subcore>, window_params = [{transform_indices = #map}, {transform_indices = #map}, {transform_indices = #map}, {transform_indices = #map1}, {transform_indices = #map1}, {transform_indices = #map1}, {transform_indices = #map}, {transform_indices = #map}, {transform_indices = #map}]} {
    %mul3A = arith.constant 2 : i32
    %mul3A_0 = arith.muli %arg1, %mul3A : i32
    %add3A = arith.addi %mul3A_0, %arg0 : i32
    %mul3A_1 = arith.constant 512 : i32
    %mul3A_2 = arith.muli %add3A, %mul3A_1 : i32
    %add3A_3 = arith.constant 0 : i32
    %add3A_4 = arith.addi %mul3A_2, %add3A_3 : i32
    "tpu.region"() ({
      %run_scoped3A = tpu.sem_alloc : memref<!tpu.dma_semaphore, #tpu.memory_space<semaphore_mem>>
      %dma_start3A_97 = tpu.memref_slice %arg5[%add3A_4] : memref<16384xi32, #tpu.memory_space<hbm>> -> memref<128xi32, #tpu.memory_space<hbm>>
      %dma_start3A_98 = tpu.memref_slice %arg5[%add3A_4] : memref<16384xi32, #tpu.memory_space<hbm>> -> memref<128xi32, #tpu.memory_space<hbm>>
      tpu.enqueue_dma source(%dma_start3A_98 : memref<128xi32, #tpu.memory_space<hbm>>) target(%arg11 : memref<128xi32, #tpu.memory_space<vmem>>) target_semaphore(%run_scoped3A : memref<!tpu.dma_semaphore, #tpu.memory_space<semaphore_mem>>)
      %dma_wait3A_99 = tpu.memref_slice %arg5[%add3A_4] : memref<16384xi32, #tpu.memory_space<hbm>> -> memref<128xi32, #tpu.memory_space<hbm>>
      %dma_wait3A_100 = tpu.memref_slice %arg5[%add3A_4] : memref<16384xi32, #tpu.memory_space<hbm>> -> memref<128xi32, #tpu.memory_space<hbm>>
      tpu.wait_dma2 semaphore(%run_scoped3A : memref<!tpu.dma_semaphore, #tpu.memory_space<semaphore_mem>>) src(%dma_wait3A_100 : memref<128xi32, #tpu.memory_space<hbm>>) dst(%arg11 : memref<128xi32, #tpu.memory_space<vmem>>)
      tpu.yield
    }) : () -> ()
    %dma_start3A = arith.constant 0 : i32
    %dma_start3A_5 = arith.constant 0 : i32
    %dma_start3A_6 = tpu.memref_slice %arg2[%dma_start3A, %dma_start3A_5] : memref<1024x256xf32, #tpu.memory_space<hbm>> -> memref<1024x256xf32, #tpu.memory_space<hbm>>
    tpu.enqueue_indirect_dma source(%dma_start3A_6 : memref<1024x256xf32, #tpu.memory_space<hbm>>) target(%arg12 : memref<128x256xf32, #tpu.memory_space<vmem>>) offsets(%arg11 : memref<128xi32, #tpu.memory_space<vmem>>) semaphore(%arg13 : memref<!tpu.dma_semaphore, #tpu.memory_space<semaphore_mem>>)
    %dma_wait3A = arith.constant 0 : i32
    %dma_wait3A_7 = arith.constant 0 : i32
    %dma_wait3A_8 = tpu.memref_slice %arg2[%dma_wait3A, %dma_wait3A_7] : memref<1024x256xf32, #tpu.memory_space<hbm>> -> memref<1024x256xf32, #tpu.memory_space<hbm>>
    tpu.wait_indirect_dma semaphore(%arg13 : memref<!tpu.dma_semaphore, #tpu.memory_space<semaphore_mem>>) src(%dma_wait3A_8 : memref<1024x256xf32, #tpu.memory_space<hbm>>) dst(%arg12 : memref<128x256xf32, #tpu.memory_space<vmem>>)
    "tpu.region"() ({
      %run_scoped3A = tpu.sem_alloc : memref<!tpu.dma_semaphore, #tpu.memory_space<semaphore_mem>>
      %dma_start3A_97 = arith.constant 0 : i32
      %dma_start3A_98 = tpu.memref_slice %arg8[%add3A_4, %dma_start3A_97] : memref<16384x256xf32, #tpu.memory_space<hbm>> -> memref<128x256xf32, #tpu.memory_space<hbm>>
      %dma_start3A_99 = arith.constant 0 : i32
      %dma_start3A_100 = tpu.memref_slice %arg8[%add3A_4, %dma_start3A_99] : memref<16384x256xf32, #tpu.memory_space<hbm>> -> memref<128x256xf32, #tpu.memory_space<hbm>>
      tpu.enqueue_dma source(%arg12 : memref<128x256xf32, #tpu.memory_space<vmem>>) target(%dma_start3A_100 : memref<128x256xf32, #tpu.memory_space<hbm>>) target_semaphore(%run_scoped3A : memref<!tpu.dma_semaphore, #tpu.memory_space<semaphore_mem>>)
      %dma_wait3A_101 = arith.constant 0 : i32
      %dma_wait3A_102 = tpu.memref_slice %arg8[%add3A_4, %dma_wait3A_101] : memref<16384x256xf32, #tpu.memory_space<hbm>> -> memref<128x256xf32, #tpu.memory_space<hbm>>
      %dma_wait3A_103 = arith.constant 0 : i32
      %dma_wait3A_104 = tpu.memref_slice %arg8[%add3A_4, %dma_wait3A_103] : memref<16384x256xf32, #tpu.memory_space<hbm>> -> memref<128x256xf32, #tpu.memory_space<hbm>>
      tpu.wait_dma2 semaphore(%run_scoped3A : memref<!tpu.dma_semaphore, #tpu.memory_space<semaphore_mem>>) src(%arg12 : memref<128x256xf32, #tpu.memory_space<vmem>>) dst(%dma_wait3A_104 : memref<128x256xf32, #tpu.memory_space<hbm>>)
      tpu.yield
    }) : () -> ()
    %add3A_9 = arith.constant 128 : i32
    %add3A_10 = arith.addi %mul3A_2, %add3A_9 : i32
    "tpu.region"() ({
      %run_scoped3A = tpu.sem_alloc : memref<!tpu.dma_semaphore, #tpu.memory_space<semaphore_mem>>
      %dma_start3A_97 = tpu.memref_slice %arg5[%add3A_10] : memref<16384xi32, #tpu.memory_space<hbm>> -> memref<128xi32, #tpu.memory_space<hbm>>
      %dma_start3A_98 = tpu.memref_slice %arg5[%add3A_10] : memref<16384xi32, #tpu.memory_space<hbm>> -> memref<128xi32, #tpu.memory_space<hbm>>
      tpu.enqueue_dma source(%dma_start3A_98 : memref<128xi32, #tpu.memory_space<hbm>>) target(%arg11 : memref<128xi32, #tpu.memory_space<vmem>>) target_semaphore(%run_scoped3A : memref<!tpu.dma_semaphore, #tpu.memory_space<semaphore_mem>>)
      %dma_wait3A_99 = tpu.memref_slice %arg5[%add3A_10] : memref<16384xi32, #tpu.memory_space<hbm>> -> memref<128xi32, #tpu.memory_space<hbm>>
      %dma_wait3A_100 = tpu.memref_slice %arg5[%add3A_10] : memref<16384xi32, #tpu.memory_space<hbm>> -> memref<128xi32, #tpu.memory_space<hbm>>
      tpu.wait_dma2 semaphore(%run_scoped3A : memref<!tpu.dma_semaphore, #tpu.memory_space<semaphore_mem>>) src(%dma_wait3A_100 : memref<128xi32, #tpu.memory_space<hbm>>) dst(%arg11 : memref<128xi32, #tpu.memory_space<vmem>>)
      tpu.yield
    }) : () -> ()
    %dma_start3A_11 = arith.constant 0 : i32
    %dma_start3A_12 = arith.constant 0 : i32
    %dma_start3A_13 = tpu.memref_slice %arg2[%dma_start3A_11, %dma_start3A_12] : memref<1024x256xf32, #tpu.memory_space<hbm>> -> memref<1024x256xf32, #tpu.memory_space<hbm>>
    tpu.enqueue_indirect_dma source(%dma_start3A_13 : memref<1024x256xf32, #tpu.memory_space<hbm>>) target(%arg12 : memref<128x256xf32, #tpu.memory_space<vmem>>) offsets(%arg11 : memref<128xi32, #tpu.memory_space<vmem>>) semaphore(%arg13 : memref<!tpu.dma_semaphore, #tpu.memory_space<semaphore_mem>>)
    %dma_wait3A_14 = arith.constant 0 : i32
    %dma_wait3A_15 = arith.constant 0 : i32
    %dma_wait3A_16 = tpu.memref_slice %arg2[%dma_wait3A_14, %dma_wait3A_15] : memref<1024x256xf32, #tpu.memory_space<hbm>> -> memref<1024x256xf32, #tpu.memory_space<hbm>>
    tpu.wait_indirect_dma semaphore(%arg13 : memref<!tpu.dma_semaphore, #tpu.memory_space<semaphore_mem>>) src(%dma_wait3A_16 : memref<1024x256xf32, #tpu.memory_space<hbm>>) dst(%arg12 : memref<128x256xf32, #tpu.memory_space<vmem>>)
    "tpu.region"() ({
      %run_scoped3A = tpu.sem_alloc : memref<!tpu.dma_semaphore, #tpu.memory_space<semaphore_mem>>
      %dma_start3A_97 = arith.constant 0 : i32
      %dma_start3A_98 = tpu.memref_slice %arg8[%add3A_10, %dma_start3A_97] : memref<16384x256xf32, #tpu.memory_space<hbm>> -> memref<128x256xf32, #tpu.memory_space<hbm>>
      %dma_start3A_99 = arith.constant 0 : i32
      %dma_start3A_100 = tpu.memref_slice %arg8[%add3A_10, %dma_start3A_99] : memref<16384x256xf32, #tpu.memory_space<hbm>> -> memref<128x256xf32, #tpu.memory_space<hbm>>
      tpu.enqueue_dma source(%arg12 : memref<128x256xf32, #tpu.memory_space<vmem>>) target(%dma_start3A_100 : memref<128x256xf32, #tpu.memory_space<hbm>>) target_semaphore(%run_scoped3A : memref<!tpu.dma_semaphore, #tpu.memory_space<semaphore_mem>>)
      %dma_wait3A_101 = arith.constant 0 : i32
      %dma_wait3A_102 = tpu.memref_slice %arg8[%add3A_10, %dma_wait3A_101] : memref<16384x256xf32, #tpu.memory_space<hbm>> -> memref<128x256xf32, #tpu.memory_space<hbm>>
      %dma_wait3A_103 = arith.constant 0 : i32
      %dma_wait3A_104 = tpu.memref_slice %arg8[%add3A_10, %dma_wait3A_103] : memref<16384x256xf32, #tpu.memory_space<hbm>> -> memref<128x256xf32, #tpu.memory_space<hbm>>
      tpu.wait_dma2 semaphore(%run_scoped3A : memref<!tpu.dma_semaphore, #tpu.memory_space<semaphore_mem>>) src(%arg12 : memref<128x256xf32, #tpu.memory_space<vmem>>) dst(%dma_wait3A_104 : memref<128x256xf32, #tpu.memory_space<hbm>>)
      tpu.yield
    }) : () -> ()
    %add3A_17 = arith.constant 256 : i32
    %add3A_18 = arith.addi %mul3A_2, %add3A_17 : i32
    "tpu.region"() ({
      %run_scoped3A = tpu.sem_alloc : memref<!tpu.dma_semaphore, #tpu.memory_space<semaphore_mem>>
      %dma_start3A_97 = tpu.memref_slice %arg5[%add3A_18] : memref<16384xi32, #tpu.memory_space<hbm>> -> memref<128xi32, #tpu.memory_space<hbm>>
      %dma_start3A_98 = tpu.memref_slice %arg5[%add3A_18] : memref<16384xi32, #tpu.memory_space<hbm>> -> memref<128xi32, #tpu.memory_space<hbm>>
      tpu.enqueue_dma source(%dma_start3A_98 : memref<128xi32, #tpu.memory_space<hbm>>) target(%arg11 : memref<128xi32, #tpu.memory_space<vmem>>) target_semaphore(%run_scoped3A : memref<!tpu.dma_semaphore, #tpu.memory_space<semaphore_mem>>)
      %dma_wait3A_99 = tpu.memref_slice %arg5[%add3A_18] : memref<16384xi32, #tpu.memory_space<hbm>> -> memref<128xi32, #tpu.memory_space<hbm>>
      %dma_wait3A_100 = tpu.memref_slice %arg5[%add3A_18] : memref<16384xi32, #tpu.memory_space<hbm>> -> memref<128xi32, #tpu.memory_space<hbm>>
      tpu.wait_dma2 semaphore(%run_scoped3A : memref<!tpu.dma_semaphore, #tpu.memory_space<semaphore_mem>>) src(%dma_wait3A_100 : memref<128xi32, #tpu.memory_space<hbm>>) dst(%arg11 : memref<128xi32, #tpu.memory_space<vmem>>)
      tpu.yield
    }) : () -> ()
    %dma_start3A_19 = arith.constant 0 : i32
    %dma_start3A_20 = arith.constant 0 : i32
    %dma_start3A_21 = tpu.memref_slice %arg2[%dma_start3A_19, %dma_start3A_20] : memref<1024x256xf32, #tpu.memory_space<hbm>> -> memref<1024x256xf32, #tpu.memory_space<hbm>>
    tpu.enqueue_indirect_dma source(%dma_start3A_21 : memref<1024x256xf32, #tpu.memory_space<hbm>>) target(%arg12 : memref<128x256xf32, #tpu.memory_space<vmem>>) offsets(%arg11 : memref<128xi32, #tpu.memory_space<vmem>>) semaphore(%arg13 : memref<!tpu.dma_semaphore, #tpu.memory_space<semaphore_mem>>)
    %dma_wait3A_22 = arith.constant 0 : i32
    %dma_wait3A_23 = arith.constant 0 : i32
    %dma_wait3A_24 = tpu.memref_slice %arg2[%dma_wait3A_22, %dma_wait3A_23] : memref<1024x256xf32, #tpu.memory_space<hbm>> -> memref<1024x256xf32, #tpu.memory_space<hbm>>
    tpu.wait_indirect_dma semaphore(%arg13 : memref<!tpu.dma_semaphore, #tpu.memory_space<semaphore_mem>>) src(%dma_wait3A_24 : memref<1024x256xf32, #tpu.memory_space<hbm>>) dst(%arg12 : memref<128x256xf32, #tpu.memory_space<vmem>>)
    "tpu.region"() ({
      %run_scoped3A = tpu.sem_alloc : memref<!tpu.dma_semaphore, #tpu.memory_space<semaphore_mem>>
      %dma_start3A_97 = arith.constant 0 : i32
      %dma_start3A_98 = tpu.memref_slice %arg8[%add3A_18, %dma_start3A_97] : memref<16384x256xf32, #tpu.memory_space<hbm>> -> memref<128x256xf32, #tpu.memory_space<hbm>>
      %dma_start3A_99 = arith.constant 0 : i32
      %dma_start3A_100 = tpu.memref_slice %arg8[%add3A_18, %dma_start3A_99] : memref<16384x256xf32, #tpu.memory_space<hbm>> -> memref<128x256xf32, #tpu.memory_space<hbm>>
      tpu.enqueue_dma source(%arg12 : memref<128x256xf32, #tpu.memory_space<vmem>>) target(%dma_start3A_100 : memref<128x256xf32, #tpu.memory_space<hbm>>) target_semaphore(%run_scoped3A : memref<!tpu.dma_semaphore, #tpu.memory_space<semaphore_mem>>)
      %dma_wait3A_101 = arith.constant 0 : i32
      %dma_wait3A_102 = tpu.memref_slice %arg8[%add3A_18, %dma_wait3A_101] : memref<16384x256xf32, #tpu.memory_space<hbm>> -> memref<128x256xf32, #tpu.memory_space<hbm>>
      %dma_wait3A_103 = arith.constant 0 : i32
      %dma_wait3A_104 = tpu.memref_slice %arg8[%add3A_18, %dma_wait3A_103] : memref<16384x256xf32, #tpu.memory_space<hbm>> -> memref<128x256xf32, #tpu.memory_space<hbm>>
      tpu.wait_dma2 semaphore(%run_scoped3A : memref<!tpu.dma_semaphore, #tpu.memory_space<semaphore_mem>>) src(%arg12 : memref<128x256xf32, #tpu.memory_space<vmem>>) dst(%dma_wait3A_104 : memref<128x256xf32, #tpu.memory_space<hbm>>)
      tpu.yield
    }) : () -> ()
    %add3A_25 = arith.constant 384 : i32
    %add3A_26 = arith.addi %mul3A_2, %add3A_25 : i32
    "tpu.region"() ({
      %run_scoped3A = tpu.sem_alloc : memref<!tpu.dma_semaphore, #tpu.memory_space<semaphore_mem>>
      %dma_start3A_97 = tpu.memref_slice %arg5[%add3A_26] : memref<16384xi32, #tpu.memory_space<hbm>> -> memref<128xi32, #tpu.memory_space<hbm>>
      %dma_start3A_98 = tpu.memref_slice %arg5[%add3A_26] : memref<16384xi32, #tpu.memory_space<hbm>> -> memref<128xi32, #tpu.memory_space<hbm>>
      tpu.enqueue_dma source(%dma_start3A_98 : memref<128xi32, #tpu.memory_space<hbm>>) target(%arg11 : memref<128xi32, #tpu.memory_space<vmem>>) target_semaphore(%run_scoped3A : memref<!tpu.dma_semaphore, #tpu.memory_space<semaphore_mem>>)
      %dma_wait3A_99 = tpu.memref_slice %arg5[%add3A_26] : memref<16384xi32, #tpu.memory_space<hbm>> -> memref<128xi32, #tpu.memory_space<hbm>>
      %dma_wait3A_100 = tpu.memref_slice %arg5[%add3A_26] : memref<16384xi32, #tpu.memory_space<hbm>> -> memref<128xi32, #tpu.memory_space<hbm>>
      tpu.wait_dma2 semaphore(%run_scoped3A : memref<!tpu.dma_semaphore, #tpu.memory_space<semaphore_mem>>) src(%dma_wait3A_100 : memref<128xi32, #tpu.memory_space<hbm>>) dst(%arg11 : memref<128xi32, #tpu.memory_space<vmem>>)
      tpu.yield
    }) : () -> ()
    %dma_start3A_27 = arith.constant 0 : i32
    %dma_start3A_28 = arith.constant 0 : i32
    %dma_start3A_29 = tpu.memref_slice %arg2[%dma_start3A_27, %dma_start3A_28] : memref<1024x256xf32, #tpu.memory_space<hbm>> -> memref<1024x256xf32, #tpu.memory_space<hbm>>
    tpu.enqueue_indirect_dma source(%dma_start3A_29 : memref<1024x256xf32, #tpu.memory_space<hbm>>) target(%arg12 : memref<128x256xf32, #tpu.memory_space<vmem>>) offsets(%arg11 : memref<128xi32, #tpu.memory_space<vmem>>) semaphore(%arg13 : memref<!tpu.dma_semaphore, #tpu.memory_space<semaphore_mem>>)
    %dma_wait3A_30 = arith.constant 0 : i32
    %dma_wait3A_31 = arith.constant 0 : i32
    %dma_wait3A_32 = tpu.memref_slice %arg2[%dma_wait3A_30, %dma_wait3A_31] : memref<1024x256xf32, #tpu.memory_space<hbm>> -> memref<1024x256xf32, #tpu.memory_space<hbm>>
    tpu.wait_indirect_dma semaphore(%arg13 : memref<!tpu.dma_semaphore, #tpu.memory_space<semaphore_mem>>) src(%dma_wait3A_32 : memref<1024x256xf32, #tpu.memory_space<hbm>>) dst(%arg12 : memref<128x256xf32, #tpu.memory_space<vmem>>)
    "tpu.region"() ({
      %run_scoped3A = tpu.sem_alloc : memref<!tpu.dma_semaphore, #tpu.memory_space<semaphore_mem>>
      %dma_start3A_97 = arith.constant 0 : i32
      %dma_start3A_98 = tpu.memref_slice %arg8[%add3A_26, %dma_start3A_97] : memref<16384x256xf32, #tpu.memory_space<hbm>> -> memref<128x256xf32, #tpu.memory_space<hbm>>
      %dma_start3A_99 = arith.constant 0 : i32
      %dma_start3A_100 = tpu.memref_slice %arg8[%add3A_26, %dma_start3A_99] : memref<16384x256xf32, #tpu.memory_space<hbm>> -> memref<128x256xf32, #tpu.memory_space<hbm>>
      tpu.enqueue_dma source(%arg12 : memref<128x256xf32, #tpu.memory_space<vmem>>) target(%dma_start3A_100 : memref<128x256xf32, #tpu.memory_space<hbm>>) target_semaphore(%run_scoped3A : memref<!tpu.dma_semaphore, #tpu.memory_space<semaphore_mem>>)
      %dma_wait3A_101 = arith.constant 0 : i32
      %dma_wait3A_102 = tpu.memref_slice %arg8[%add3A_26, %dma_wait3A_101] : memref<16384x256xf32, #tpu.memory_space<hbm>> -> memref<128x256xf32, #tpu.memory_space<hbm>>
      %dma_wait3A_103 = arith.constant 0 : i32
      %dma_wait3A_104 = tpu.memref_slice %arg8[%add3A_26, %dma_wait3A_103] : memref<16384x256xf32, #tpu.memory_space<hbm>> -> memref<128x256xf32, #tpu.memory_space<hbm>>
      tpu.wait_dma2 semaphore(%run_scoped3A : memref<!tpu.dma_semaphore, #tpu.memory_space<semaphore_mem>>) src(%arg12 : memref<128x256xf32, #tpu.memory_space<vmem>>) dst(%dma_wait3A_104 : memref<128x256xf32, #tpu.memory_space<hbm>>)
      tpu.yield
    }) : () -> ()
    %add3A_33 = arith.constant 0 : i32
    %add3A_34 = arith.addi %mul3A_2, %add3A_33 : i32
    "tpu.region"() ({
      %run_scoped3A = tpu.sem_alloc : memref<!tpu.dma_semaphore, #tpu.memory_space<semaphore_mem>>
      %dma_start3A_97 = tpu.memref_slice %arg6[%add3A_34] : memref<16384xi32, #tpu.memory_space<hbm>> -> memref<128xi32, #tpu.memory_space<hbm>>
      %dma_start3A_98 = tpu.memref_slice %arg6[%add3A_34] : memref<16384xi32, #tpu.memory_space<hbm>> -> memref<128xi32, #tpu.memory_space<hbm>>
      tpu.enqueue_dma source(%dma_start3A_98 : memref<128xi32, #tpu.memory_space<hbm>>) target(%arg11 : memref<128xi32, #tpu.memory_space<vmem>>) target_semaphore(%run_scoped3A : memref<!tpu.dma_semaphore, #tpu.memory_space<semaphore_mem>>)
      %dma_wait3A_99 = tpu.memref_slice %arg6[%add3A_34] : memref<16384xi32, #tpu.memory_space<hbm>> -> memref<128xi32, #tpu.memory_space<hbm>>
      %dma_wait3A_100 = tpu.memref_slice %arg6[%add3A_34] : memref<16384xi32, #tpu.memory_space<hbm>> -> memref<128xi32, #tpu.memory_space<hbm>>
      tpu.wait_dma2 semaphore(%run_scoped3A : memref<!tpu.dma_semaphore, #tpu.memory_space<semaphore_mem>>) src(%dma_wait3A_100 : memref<128xi32, #tpu.memory_space<hbm>>) dst(%arg11 : memref<128xi32, #tpu.memory_space<vmem>>)
      tpu.yield
    }) : () -> ()
    %dma_start3A_35 = arith.constant 0 : i32
    %dma_start3A_36 = arith.constant 0 : i32
    %dma_start3A_37 = tpu.memref_slice %arg3[%dma_start3A_35, %dma_start3A_36] : memref<1024x256xf32, #tpu.memory_space<hbm>> -> memref<1024x256xf32, #tpu.memory_space<hbm>>
    tpu.enqueue_indirect_dma source(%dma_start3A_37 : memref<1024x256xf32, #tpu.memory_space<hbm>>) target(%arg12 : memref<128x256xf32, #tpu.memory_space<vmem>>) offsets(%arg11 : memref<128xi32, #tpu.memory_space<vmem>>) semaphore(%arg13 : memref<!tpu.dma_semaphore, #tpu.memory_space<semaphore_mem>>)
    %dma_wait3A_38 = arith.constant 0 : i32
    %dma_wait3A_39 = arith.constant 0 : i32
    %dma_wait3A_40 = tpu.memref_slice %arg3[%dma_wait3A_38, %dma_wait3A_39] : memref<1024x256xf32, #tpu.memory_space<hbm>> -> memref<1024x256xf32, #tpu.memory_space<hbm>>
    tpu.wait_indirect_dma semaphore(%arg13 : memref<!tpu.dma_semaphore, #tpu.memory_space<semaphore_mem>>) src(%dma_wait3A_40 : memref<1024x256xf32, #tpu.memory_space<hbm>>) dst(%arg12 : memref<128x256xf32, #tpu.memory_space<vmem>>)
    "tpu.region"() ({
      %run_scoped3A = tpu.sem_alloc : memref<!tpu.dma_semaphore, #tpu.memory_space<semaphore_mem>>
      %dma_start3A_97 = arith.constant 0 : i32
      %dma_start3A_98 = tpu.memref_slice %arg9[%add3A_34, %dma_start3A_97] : memref<16384x256xf32, #tpu.memory_space<hbm>> -> memref<128x256xf32, #tpu.memory_space<hbm>>
      %dma_start3A_99 = arith.constant 0 : i32
      %dma_start3A_100 = tpu.memref_slice %arg9[%add3A_34, %dma_start3A_99] : memref<16384x256xf32, #tpu.memory_space<hbm>> -> memref<128x256xf32, #tpu.memory_space<hbm>>
      tpu.enqueue_dma source(%arg12 : memref<128x256xf32, #tpu.memory_space<vmem>>) target(%dma_start3A_100 : memref<128x256xf32, #tpu.memory_space<hbm>>) target_semaphore(%run_scoped3A : memref<!tpu.dma_semaphore, #tpu.memory_space<semaphore_mem>>)
      %dma_wait3A_101 = arith.constant 0 : i32
      %dma_wait3A_102 = tpu.memref_slice %arg9[%add3A_34, %dma_wait3A_101] : memref<16384x256xf32, #tpu.memory_space<hbm>> -> memref<128x256xf32, #tpu.memory_space<hbm>>
      %dma_wait3A_103 = arith.constant 0 : i32
      %dma_wait3A_104 = tpu.memref_slice %arg9[%add3A_34, %dma_wait3A_103] : memref<16384x256xf32, #tpu.memory_space<hbm>> -> memref<128x256xf32, #tpu.memory_space<hbm>>
      tpu.wait_dma2 semaphore(%run_scoped3A : memref<!tpu.dma_semaphore, #tpu.memory_space<semaphore_mem>>) src(%arg12 : memref<128x256xf32, #tpu.memory_space<vmem>>) dst(%dma_wait3A_104 : memref<128x256xf32, #tpu.memory_space<hbm>>)
      tpu.yield
    }) : () -> ()
    %add3A_41 = arith.constant 128 : i32
    %add3A_42 = arith.addi %mul3A_2, %add3A_41 : i32
    "tpu.region"() ({
      %run_scoped3A = tpu.sem_alloc : memref<!tpu.dma_semaphore, #tpu.memory_space<semaphore_mem>>
      %dma_start3A_97 = tpu.memref_slice %arg6[%add3A_42] : memref<16384xi32, #tpu.memory_space<hbm>> -> memref<128xi32, #tpu.memory_space<hbm>>
      %dma_start3A_98 = tpu.memref_slice %arg6[%add3A_42] : memref<16384xi32, #tpu.memory_space<hbm>> -> memref<128xi32, #tpu.memory_space<hbm>>
      tpu.enqueue_dma source(%dma_start3A_98 : memref<128xi32, #tpu.memory_space<hbm>>) target(%arg11 : memref<128xi32, #tpu.memory_space<vmem>>) target_semaphore(%run_scoped3A : memref<!tpu.dma_semaphore, #tpu.memory_space<semaphore_mem>>)
      %dma_wait3A_99 = tpu.memref_slice %arg6[%add3A_42] : memref<16384xi32, #tpu.memory_space<hbm>> -> memref<128xi32, #tpu.memory_space<hbm>>
      %dma_wait3A_100 = tpu.memref_slice %arg6[%add3A_42] : memref<16384xi32, #tpu.memory_space<hbm>> -> memref<128xi32, #tpu.memory_space<hbm>>
      tpu.wait_dma2 semaphore(%run_scoped3A : memref<!tpu.dma_semaphore, #tpu.memory_space<semaphore_mem>>) src(%dma_wait3A_100 : memref<128xi32, #tpu.memory_space<hbm>>) dst(%arg11 : memref<128xi32, #tpu.memory_space<vmem>>)
      tpu.yield
    }) : () -> ()
    %dma_start3A_43 = arith.constant 0 : i32
    %dma_start3A_44 = arith.constant 0 : i32
    %dma_start3A_45 = tpu.memref_slice %arg3[%dma_start3A_43, %dma_start3A_44] : memref<1024x256xf32, #tpu.memory_space<hbm>> -> memref<1024x256xf32, #tpu.memory_space<hbm>>
    tpu.enqueue_indirect_dma source(%dma_start3A_45 : memref<1024x256xf32, #tpu.memory_space<hbm>>) target(%arg12 : memref<128x256xf32, #tpu.memory_space<vmem>>) offsets(%arg11 : memref<128xi32, #tpu.memory_space<vmem>>) semaphore(%arg13 : memref<!tpu.dma_semaphore, #tpu.memory_space<semaphore_mem>>)
    %dma_wait3A_46 = arith.constant 0 : i32
    %dma_wait3A_47 = arith.constant 0 : i32
    %dma_wait3A_48 = tpu.memref_slice %arg3[%dma_wait3A_46, %dma_wait3A_47] : memref<1024x256xf32, #tpu.memory_space<hbm>> -> memref<1024x256xf32, #tpu.memory_space<hbm>>
    tpu.wait_indirect_dma semaphore(%arg13 : memref<!tpu.dma_semaphore, #tpu.memory_space<semaphore_mem>>) src(%dma_wait3A_48 : memref<1024x256xf32, #tpu.memory_space<hbm>>) dst(%arg12 : memref<128x256xf32, #tpu.memory_space<vmem>>)
    "tpu.region"() ({
      %run_scoped3A = tpu.sem_alloc : memref<!tpu.dma_semaphore, #tpu.memory_space<semaphore_mem>>
      %dma_start3A_97 = arith.constant 0 : i32
      %dma_start3A_98 = tpu.memref_slice %arg9[%add3A_42, %dma_start3A_97] : memref<16384x256xf32, #tpu.memory_space<hbm>> -> memref<128x256xf32, #tpu.memory_space<hbm>>
      %dma_start3A_99 = arith.constant 0 : i32
      %dma_start3A_100 = tpu.memref_slice %arg9[%add3A_42, %dma_start3A_99] : memref<16384x256xf32, #tpu.memory_space<hbm>> -> memref<128x256xf32, #tpu.memory_space<hbm>>
      tpu.enqueue_dma source(%arg12 : memref<128x256xf32, #tpu.memory_space<vmem>>) target(%dma_start3A_100 : memref<128x256xf32, #tpu.memory_space<hbm>>) target_semaphore(%run_scoped3A : memref<!tpu.dma_semaphore, #tpu.memory_space<semaphore_mem>>)
      %dma_wait3A_101 = arith.constant 0 : i32
      %dma_wait3A_102 = tpu.memref_slice %arg9[%add3A_42, %dma_wait3A_101] : memref<16384x256xf32, #tpu.memory_space<hbm>> -> memref<128x256xf32, #tpu.memory_space<hbm>>
      %dma_wait3A_103 = arith.constant 0 : i32
      %dma_wait3A_104 = tpu.memref_slice %arg9[%add3A_42, %dma_wait3A_103] : memref<16384x256xf32, #tpu.memory_space<hbm>> -> memref<128x256xf32, #tpu.memory_space<hbm>>
      tpu.wait_dma2 semaphore(%run_scoped3A : memref<!tpu.dma_semaphore, #tpu.memory_space<semaphore_mem>>) src(%arg12 : memref<128x256xf32, #tpu.memory_space<vmem>>) dst(%dma_wait3A_104 : memref<128x256xf32, #tpu.memory_space<hbm>>)
      tpu.yield
    }) : () -> ()
    %add3A_49 = arith.constant 256 : i32
    %add3A_50 = arith.addi %mul3A_2, %add3A_49 : i32
    "tpu.region"() ({
      %run_scoped3A = tpu.sem_alloc : memref<!tpu.dma_semaphore, #tpu.memory_space<semaphore_mem>>
      %dma_start3A_97 = tpu.memref_slice %arg6[%add3A_50] : memref<16384xi32, #tpu.memory_space<hbm>> -> memref<128xi32, #tpu.memory_space<hbm>>
      %dma_start3A_98 = tpu.memref_slice %arg6[%add3A_50] : memref<16384xi32, #tpu.memory_space<hbm>> -> memref<128xi32, #tpu.memory_space<hbm>>
      tpu.enqueue_dma source(%dma_start3A_98 : memref<128xi32, #tpu.memory_space<hbm>>) target(%arg11 : memref<128xi32, #tpu.memory_space<vmem>>) target_semaphore(%run_scoped3A : memref<!tpu.dma_semaphore, #tpu.memory_space<semaphore_mem>>)
      %dma_wait3A_99 = tpu.memref_slice %arg6[%add3A_50] : memref<16384xi32, #tpu.memory_space<hbm>> -> memref<128xi32, #tpu.memory_space<hbm>>
      %dma_wait3A_100 = tpu.memref_slice %arg6[%add3A_50] : memref<16384xi32, #tpu.memory_space<hbm>> -> memref<128xi32, #tpu.memory_space<hbm>>
      tpu.wait_dma2 semaphore(%run_scoped3A : memref<!tpu.dma_semaphore, #tpu.memory_space<semaphore_mem>>) src(%dma_wait3A_100 : memref<128xi32, #tpu.memory_space<hbm>>) dst(%arg11 : memref<128xi32, #tpu.memory_space<vmem>>)
      tpu.yield
    }) : () -> ()
    %dma_start3A_51 = arith.constant 0 : i32
    %dma_start3A_52 = arith.constant 0 : i32
    %dma_start3A_53 = tpu.memref_slice %arg3[%dma_start3A_51, %dma_start3A_52] : memref<1024x256xf32, #tpu.memory_space<hbm>> -> memref<1024x256xf32, #tpu.memory_space<hbm>>
    tpu.enqueue_indirect_dma source(%dma_start3A_53 : memref<1024x256xf32, #tpu.memory_space<hbm>>) target(%arg12 : memref<128x256xf32, #tpu.memory_space<vmem>>) offsets(%arg11 : memref<128xi32, #tpu.memory_space<vmem>>) semaphore(%arg13 : memref<!tpu.dma_semaphore, #tpu.memory_space<semaphore_mem>>)
    %dma_wait3A_54 = arith.constant 0 : i32
    %dma_wait3A_55 = arith.constant 0 : i32
    %dma_wait3A_56 = tpu.memref_slice %arg3[%dma_wait3A_54, %dma_wait3A_55] : memref<1024x256xf32, #tpu.memory_space<hbm>> -> memref<1024x256xf32, #tpu.memory_space<hbm>>
    tpu.wait_indirect_dma semaphore(%arg13 : memref<!tpu.dma_semaphore, #tpu.memory_space<semaphore_mem>>) src(%dma_wait3A_56 : memref<1024x256xf32, #tpu.memory_space<hbm>>) dst(%arg12 : memref<128x256xf32, #tpu.memory_space<vmem>>)
    "tpu.region"() ({
      %run_scoped3A = tpu.sem_alloc : memref<!tpu.dma_semaphore, #tpu.memory_space<semaphore_mem>>
      %dma_start3A_97 = arith.constant 0 : i32
      %dma_start3A_98 = tpu.memref_slice %arg9[%add3A_50, %dma_start3A_97] : memref<16384x256xf32, #tpu.memory_space<hbm>> -> memref<128x256xf32, #tpu.memory_space<hbm>>
      %dma_start3A_99 = arith.constant 0 : i32
      %dma_start3A_100 = tpu.memref_slice %arg9[%add3A_50, %dma_start3A_99] : memref<16384x256xf32, #tpu.memory_space<hbm>> -> memref<128x256xf32, #tpu.memory_space<hbm>>
      tpu.enqueue_dma source(%arg12 : memref<128x256xf32, #tpu.memory_space<vmem>>) target(%dma_start3A_100 : memref<128x256xf32, #tpu.memory_space<hbm>>) target_semaphore(%run_scoped3A : memref<!tpu.dma_semaphore, #tpu.memory_space<semaphore_mem>>)
      %dma_wait3A_101 = arith.constant 0 : i32
      %dma_wait3A_102 = tpu.memref_slice %arg9[%add3A_50, %dma_wait3A_101] : memref<16384x256xf32, #tpu.memory_space<hbm>> -> memref<128x256xf32, #tpu.memory_space<hbm>>
      %dma_wait3A_103 = arith.constant 0 : i32
      %dma_wait3A_104 = tpu.memref_slice %arg9[%add3A_50, %dma_wait3A_103] : memref<16384x256xf32, #tpu.memory_space<hbm>> -> memref<128x256xf32, #tpu.memory_space<hbm>>
      tpu.wait_dma2 semaphore(%run_scoped3A : memref<!tpu.dma_semaphore, #tpu.memory_space<semaphore_mem>>) src(%arg12 : memref<128x256xf32, #tpu.memory_space<vmem>>) dst(%dma_wait3A_104 : memref<128x256xf32, #tpu.memory_space<hbm>>)
      tpu.yield
    }) : () -> ()
    %add3A_57 = arith.constant 384 : i32
    %add3A_58 = arith.addi %mul3A_2, %add3A_57 : i32
    "tpu.region"() ({
      %run_scoped3A = tpu.sem_alloc : memref<!tpu.dma_semaphore, #tpu.memory_space<semaphore_mem>>
      %dma_start3A_97 = tpu.memref_slice %arg6[%add3A_58] : memref<16384xi32, #tpu.memory_space<hbm>> -> memref<128xi32, #tpu.memory_space<hbm>>
      %dma_start3A_98 = tpu.memref_slice %arg6[%add3A_58] : memref<16384xi32, #tpu.memory_space<hbm>> -> memref<128xi32, #tpu.memory_space<hbm>>
      tpu.enqueue_dma source(%dma_start3A_98 : memref<128xi32, #tpu.memory_space<hbm>>) target(%arg11 : memref<128xi32, #tpu.memory_space<vmem>>) target_semaphore(%run_scoped3A : memref<!tpu.dma_semaphore, #tpu.memory_space<semaphore_mem>>)
      %dma_wait3A_99 = tpu.memref_slice %arg6[%add3A_58] : memref<16384xi32, #tpu.memory_space<hbm>> -> memref<128xi32, #tpu.memory_space<hbm>>
      %dma_wait3A_100 = tpu.memref_slice %arg6[%add3A_58] : memref<16384xi32, #tpu.memory_space<hbm>> -> memref<128xi32, #tpu.memory_space<hbm>>
      tpu.wait_dma2 semaphore(%run_scoped3A : memref<!tpu.dma_semaphore, #tpu.memory_space<semaphore_mem>>) src(%dma_wait3A_100 : memref<128xi32, #tpu.memory_space<hbm>>) dst(%arg11 : memref<128xi32, #tpu.memory_space<vmem>>)
      tpu.yield
    }) : () -> ()
    %dma_start3A_59 = arith.constant 0 : i32
    %dma_start3A_60 = arith.constant 0 : i32
    %dma_start3A_61 = tpu.memref_slice %arg3[%dma_start3A_59, %dma_start3A_60] : memref<1024x256xf32, #tpu.memory_space<hbm>> -> memref<1024x256xf32, #tpu.memory_space<hbm>>
    tpu.enqueue_indirect_dma source(%dma_start3A_61 : memref<1024x256xf32, #tpu.memory_space<hbm>>) target(%arg12 : memref<128x256xf32, #tpu.memory_space<vmem>>) offsets(%arg11 : memref<128xi32, #tpu.memory_space<vmem>>) semaphore(%arg13 : memref<!tpu.dma_semaphore, #tpu.memory_space<semaphore_mem>>)
    %dma_wait3A_62 = arith.constant 0 : i32
    %dma_wait3A_63 = arith.constant 0 : i32
    %dma_wait3A_64 = tpu.memref_slice %arg3[%dma_wait3A_62, %dma_wait3A_63] : memref<1024x256xf32, #tpu.memory_space<hbm>> -> memref<1024x256xf32, #tpu.memory_space<hbm>>
    tpu.wait_indirect_dma semaphore(%arg13 : memref<!tpu.dma_semaphore, #tpu.memory_space<semaphore_mem>>) src(%dma_wait3A_64 : memref<1024x256xf32, #tpu.memory_space<hbm>>) dst(%arg12 : memref<128x256xf32, #tpu.memory_space<vmem>>)
    "tpu.region"() ({
      %run_scoped3A = tpu.sem_alloc : memref<!tpu.dma_semaphore, #tpu.memory_space<semaphore_mem>>
      %dma_start3A_97 = arith.constant 0 : i32
      %dma_start3A_98 = tpu.memref_slice %arg9[%add3A_58, %dma_start3A_97] : memref<16384x256xf32, #tpu.memory_space<hbm>> -> memref<128x256xf32, #tpu.memory_space<hbm>>
      %dma_start3A_99 = arith.constant 0 : i32
      %dma_start3A_100 = tpu.memref_slice %arg9[%add3A_58, %dma_start3A_99] : memref<16384x256xf32, #tpu.memory_space<hbm>> -> memref<128x256xf32, #tpu.memory_space<hbm>>
      tpu.enqueue_dma source(%arg12 : memref<128x256xf32, #tpu.memory_space<vmem>>) target(%dma_start3A_100 : memref<128x256xf32, #tpu.memory_space<hbm>>) target_semaphore(%run_scoped3A : memref<!tpu.dma_semaphore, #tpu.memory_space<semaphore_mem>>)
      %dma_wait3A_101 = arith.constant 0 : i32
      %dma_wait3A_102 = tpu.memref_slice %arg9[%add3A_58, %dma_wait3A_101] : memref<16384x256xf32, #tpu.memory_space<hbm>> -> memref<128x256xf32, #tpu.memory_space<hbm>>
      %dma_wait3A_103 = arith.constant 0 : i32
      %dma_wait3A_104 = tpu.memref_slice %arg9[%add3A_58, %dma_wait3A_103] : memref<16384x256xf32, #tpu.memory_space<hbm>> -> memref<128x256xf32, #tpu.memory_space<hbm>>
      tpu.wait_dma2 semaphore(%run_scoped3A : memref<!tpu.dma_semaphore, #tpu.memory_space<semaphore_mem>>) src(%arg12 : memref<128x256xf32, #tpu.memory_space<vmem>>) dst(%dma_wait3A_104 : memref<128x256xf32, #tpu.memory_space<hbm>>)
      tpu.yield
    }) : () -> ()
    %add3A_65 = arith.constant 0 : i32
    %add3A_66 = arith.addi %mul3A_2, %add3A_65 : i32
    "tpu.region"() ({
      %run_scoped3A = tpu.sem_alloc : memref<!tpu.dma_semaphore, #tpu.memory_space<semaphore_mem>>
      %dma_start3A_97 = tpu.memref_slice %arg7[%add3A_66] : memref<16384xi32, #tpu.memory_space<hbm>> -> memref<128xi32, #tpu.memory_space<hbm>>
      %dma_start3A_98 = tpu.memref_slice %arg7[%add3A_66] : memref<16384xi32, #tpu.memory_space<hbm>> -> memref<128xi32, #tpu.memory_space<hbm>>
      tpu.enqueue_dma source(%dma_start3A_98 : memref<128xi32, #tpu.memory_space<hbm>>) target(%arg11 : memref<128xi32, #tpu.memory_space<vmem>>) target_semaphore(%run_scoped3A : memref<!tpu.dma_semaphore, #tpu.memory_space<semaphore_mem>>)
      %dma_wait3A_99 = tpu.memref_slice %arg7[%add3A_66] : memref<16384xi32, #tpu.memory_space<hbm>> -> memref<128xi32, #tpu.memory_space<hbm>>
      %dma_wait3A_100 = tpu.memref_slice %arg7[%add3A_66] : memref<16384xi32, #tpu.memory_space<hbm>> -> memref<128xi32, #tpu.memory_space<hbm>>
      tpu.wait_dma2 semaphore(%run_scoped3A : memref<!tpu.dma_semaphore, #tpu.memory_space<semaphore_mem>>) src(%dma_wait3A_100 : memref<128xi32, #tpu.memory_space<hbm>>) dst(%arg11 : memref<128xi32, #tpu.memory_space<vmem>>)
      tpu.yield
    }) : () -> ()
    %dma_start3A_67 = arith.constant 0 : i32
    %dma_start3A_68 = arith.constant 0 : i32
    %dma_start3A_69 = tpu.memref_slice %arg4[%dma_start3A_67, %dma_start3A_68] : memref<512x256xf32, #tpu.memory_space<hbm>> -> memref<512x256xf32, #tpu.memory_space<hbm>>
    tpu.enqueue_indirect_dma source(%dma_start3A_69 : memref<512x256xf32, #tpu.memory_space<hbm>>) target(%arg12 : memref<128x256xf32, #tpu.memory_space<vmem>>) offsets(%arg11 : memref<128xi32, #tpu.memory_space<vmem>>) semaphore(%arg13 : memref<!tpu.dma_semaphore, #tpu.memory_space<semaphore_mem>>)
    %dma_wait3A_70 = arith.constant 0 : i32
    %dma_wait3A_71 = arith.constant 0 : i32
    %dma_wait3A_72 = tpu.memref_slice %arg4[%dma_wait3A_70, %dma_wait3A_71] : memref<512x256xf32, #tpu.memory_space<hbm>> -> memref<512x256xf32, #tpu.memory_space<hbm>>
    tpu.wait_indirect_dma semaphore(%arg13 : memref<!tpu.dma_semaphore, #tpu.memory_space<semaphore_mem>>) src(%dma_wait3A_72 : memref<512x256xf32, #tpu.memory_space<hbm>>) dst(%arg12 : memref<128x256xf32, #tpu.memory_space<vmem>>)
    "tpu.region"() ({
      %run_scoped3A = tpu.sem_alloc : memref<!tpu.dma_semaphore, #tpu.memory_space<semaphore_mem>>
      %dma_start3A_97 = arith.constant 0 : i32
      %dma_start3A_98 = tpu.memref_slice %arg10[%add3A_66, %dma_start3A_97] : memref<16384x256xf32, #tpu.memory_space<hbm>> -> memref<128x256xf32, #tpu.memory_space<hbm>>
      %dma_start3A_99 = arith.constant 0 : i32
      %dma_start3A_100 = tpu.memref_slice %arg10[%add3A_66, %dma_start3A_99] : memref<16384x256xf32, #tpu.memory_space<hbm>> -> memref<128x256xf32, #tpu.memory_space<hbm>>
      tpu.enqueue_dma source(%arg12 : memref<128x256xf32, #tpu.memory_space<vmem>>) target(%dma_start3A_100 : memref<128x256xf32, #tpu.memory_space<hbm>>) target_semaphore(%run_scoped3A : memref<!tpu.dma_semaphore, #tpu.memory_space<semaphore_mem>>)
      %dma_wait3A_101 = arith.constant 0 : i32
      %dma_wait3A_102 = tpu.memref_slice %arg10[%add3A_66, %dma_wait3A_101] : memref<16384x256xf32, #tpu.memory_space<hbm>> -> memref<128x256xf32, #tpu.memory_space<hbm>>
      %dma_wait3A_103 = arith.constant 0 : i32
      %dma_wait3A_104 = tpu.memref_slice %arg10[%add3A_66, %dma_wait3A_103] : memref<16384x256xf32, #tpu.memory_space<hbm>> -> memref<128x256xf32, #tpu.memory_space<hbm>>
      tpu.wait_dma2 semaphore(%run_scoped3A : memref<!tpu.dma_semaphore, #tpu.memory_space<semaphore_mem>>) src(%arg12 : memref<128x256xf32, #tpu.memory_space<vmem>>) dst(%dma_wait3A_104 : memref<128x256xf32, #tpu.memory_space<hbm>>)
      tpu.yield
    }) : () -> ()
    %add3A_73 = arith.constant 128 : i32
    %add3A_74 = arith.addi %mul3A_2, %add3A_73 : i32
    "tpu.region"() ({
      %run_scoped3A = tpu.sem_alloc : memref<!tpu.dma_semaphore, #tpu.memory_space<semaphore_mem>>
      %dma_start3A_97 = tpu.memref_slice %arg7[%add3A_74] : memref<16384xi32, #tpu.memory_space<hbm>> -> memref<128xi32, #tpu.memory_space<hbm>>
      %dma_start3A_98 = tpu.memref_slice %arg7[%add3A_74] : memref<16384xi32, #tpu.memory_space<hbm>> -> memref<128xi32, #tpu.memory_space<hbm>>
      tpu.enqueue_dma source(%dma_start3A_98 : memref<128xi32, #tpu.memory_space<hbm>>) target(%arg11 : memref<128xi32, #tpu.memory_space<vmem>>) target_semaphore(%run_scoped3A : memref<!tpu.dma_semaphore, #tpu.memory_space<semaphore_mem>>)
      %dma_wait3A_99 = tpu.memref_slice %arg7[%add3A_74] : memref<16384xi32, #tpu.memory_space<hbm>> -> memref<128xi32, #tpu.memory_space<hbm>>
      %dma_wait3A_100 = tpu.memref_slice %arg7[%add3A_74] : memref<16384xi32, #tpu.memory_space<hbm>> -> memref<128xi32, #tpu.memory_space<hbm>>
      tpu.wait_dma2 semaphore(%run_scoped3A : memref<!tpu.dma_semaphore, #tpu.memory_space<semaphore_mem>>) src(%dma_wait3A_100 : memref<128xi32, #tpu.memory_space<hbm>>) dst(%arg11 : memref<128xi32, #tpu.memory_space<vmem>>)
      tpu.yield
    }) : () -> ()
    %dma_start3A_75 = arith.constant 0 : i32
    %dma_start3A_76 = arith.constant 0 : i32
    %dma_start3A_77 = tpu.memref_slice %arg4[%dma_start3A_75, %dma_start3A_76] : memref<512x256xf32, #tpu.memory_space<hbm>> -> memref<512x256xf32, #tpu.memory_space<hbm>>
    tpu.enqueue_indirect_dma source(%dma_start3A_77 : memref<512x256xf32, #tpu.memory_space<hbm>>) target(%arg12 : memref<128x256xf32, #tpu.memory_space<vmem>>) offsets(%arg11 : memref<128xi32, #tpu.memory_space<vmem>>) semaphore(%arg13 : memref<!tpu.dma_semaphore, #tpu.memory_space<semaphore_mem>>)
    %dma_wait3A_78 = arith.constant 0 : i32
    %dma_wait3A_79 = arith.constant 0 : i32
    %dma_wait3A_80 = tpu.memref_slice %arg4[%dma_wait3A_78, %dma_wait3A_79] : memref<512x256xf32, #tpu.memory_space<hbm>> -> memref<512x256xf32, #tpu.memory_space<hbm>>
    tpu.wait_indirect_dma semaphore(%arg13 : memref<!tpu.dma_semaphore, #tpu.memory_space<semaphore_mem>>) src(%dma_wait3A_80 : memref<512x256xf32, #tpu.memory_space<hbm>>) dst(%arg12 : memref<128x256xf32, #tpu.memory_space<vmem>>)
    "tpu.region"() ({
      %run_scoped3A = tpu.sem_alloc : memref<!tpu.dma_semaphore, #tpu.memory_space<semaphore_mem>>
      %dma_start3A_97 = arith.constant 0 : i32
      %dma_start3A_98 = tpu.memref_slice %arg10[%add3A_74, %dma_start3A_97] : memref<16384x256xf32, #tpu.memory_space<hbm>> -> memref<128x256xf32, #tpu.memory_space<hbm>>
      %dma_start3A_99 = arith.constant 0 : i32
      %dma_start3A_100 = tpu.memref_slice %arg10[%add3A_74, %dma_start3A_99] : memref<16384x256xf32, #tpu.memory_space<hbm>> -> memref<128x256xf32, #tpu.memory_space<hbm>>
      tpu.enqueue_dma source(%arg12 : memref<128x256xf32, #tpu.memory_space<vmem>>) target(%dma_start3A_100 : memref<128x256xf32, #tpu.memory_space<hbm>>) target_semaphore(%run_scoped3A : memref<!tpu.dma_semaphore, #tpu.memory_space<semaphore_mem>>)
      %dma_wait3A_101 = arith.constant 0 : i32
      %dma_wait3A_102 = tpu.memref_slice %arg10[%add3A_74, %dma_wait3A_101] : memref<16384x256xf32, #tpu.memory_space<hbm>> -> memref<128x256xf32, #tpu.memory_space<hbm>>
      %dma_wait3A_103 = arith.constant 0 : i32
      %dma_wait3A_104 = tpu.memref_slice %arg10[%add3A_74, %dma_wait3A_103] : memref<16384x256xf32, #tpu.memory_space<hbm>> -> memref<128x256xf32, #tpu.memory_space<hbm>>
      tpu.wait_dma2 semaphore(%run_scoped3A : memref<!tpu.dma_semaphore, #tpu.memory_space<semaphore_mem>>) src(%arg12 : memref<128x256xf32, #tpu.memory_space<vmem>>) dst(%dma_wait3A_104 : memref<128x256xf32, #tpu.memory_space<hbm>>)
      tpu.yield
    }) : () -> ()
    %add3A_81 = arith.constant 256 : i32
    %add3A_82 = arith.addi %mul3A_2, %add3A_81 : i32
    "tpu.region"() ({
      %run_scoped3A = tpu.sem_alloc : memref<!tpu.dma_semaphore, #tpu.memory_space<semaphore_mem>>
      %dma_start3A_97 = tpu.memref_slice %arg7[%add3A_82] : memref<16384xi32, #tpu.memory_space<hbm>> -> memref<128xi32, #tpu.memory_space<hbm>>
      %dma_start3A_98 = tpu.memref_slice %arg7[%add3A_82] : memref<16384xi32, #tpu.memory_space<hbm>> -> memref<128xi32, #tpu.memory_space<hbm>>
      tpu.enqueue_dma source(%dma_start3A_98 : memref<128xi32, #tpu.memory_space<hbm>>) target(%arg11 : memref<128xi32, #tpu.memory_space<vmem>>) target_semaphore(%run_scoped3A : memref<!tpu.dma_semaphore, #tpu.memory_space<semaphore_mem>>)
      %dma_wait3A_99 = tpu.memref_slice %arg7[%add3A_82] : memref<16384xi32, #tpu.memory_space<hbm>> -> memref<128xi32, #tpu.memory_space<hbm>>
      %dma_wait3A_100 = tpu.memref_slice %arg7[%add3A_82] : memref<16384xi32, #tpu.memory_space<hbm>> -> memref<128xi32, #tpu.memory_space<hbm>>
      tpu.wait_dma2 semaphore(%run_scoped3A : memref<!tpu.dma_semaphore, #tpu.memory_space<semaphore_mem>>) src(%dma_wait3A_100 : memref<128xi32, #tpu.memory_space<hbm>>) dst(%arg11 : memref<128xi32, #tpu.memory_space<vmem>>)
      tpu.yield
    }) : () -> ()
    %dma_start3A_83 = arith.constant 0 : i32
    %dma_start3A_84 = arith.constant 0 : i32
    %dma_start3A_85 = tpu.memref_slice %arg4[%dma_start3A_83, %dma_start3A_84] : memref<512x256xf32, #tpu.memory_space<hbm>> -> memref<512x256xf32, #tpu.memory_space<hbm>>
    tpu.enqueue_indirect_dma source(%dma_start3A_85 : memref<512x256xf32, #tpu.memory_space<hbm>>) target(%arg12 : memref<128x256xf32, #tpu.memory_space<vmem>>) offsets(%arg11 : memref<128xi32, #tpu.memory_space<vmem>>) semaphore(%arg13 : memref<!tpu.dma_semaphore, #tpu.memory_space<semaphore_mem>>)
    %dma_wait3A_86 = arith.constant 0 : i32
    %dma_wait3A_87 = arith.constant 0 : i32
    %dma_wait3A_88 = tpu.memref_slice %arg4[%dma_wait3A_86, %dma_wait3A_87] : memref<512x256xf32, #tpu.memory_space<hbm>> -> memref<512x256xf32, #tpu.memory_space<hbm>>
    tpu.wait_indirect_dma semaphore(%arg13 : memref<!tpu.dma_semaphore, #tpu.memory_space<semaphore_mem>>) src(%dma_wait3A_88 : memref<512x256xf32, #tpu.memory_space<hbm>>) dst(%arg12 : memref<128x256xf32, #tpu.memory_space<vmem>>)
    "tpu.region"() ({
      %run_scoped3A = tpu.sem_alloc : memref<!tpu.dma_semaphore, #tpu.memory_space<semaphore_mem>>
      %dma_start3A_97 = arith.constant 0 : i32
      %dma_start3A_98 = tpu.memref_slice %arg10[%add3A_82, %dma_start3A_97] : memref<16384x256xf32, #tpu.memory_space<hbm>> -> memref<128x256xf32, #tpu.memory_space<hbm>>
      %dma_start3A_99 = arith.constant 0 : i32
      %dma_start3A_100 = tpu.memref_slice %arg10[%add3A_82, %dma_start3A_99] : memref<16384x256xf32, #tpu.memory_space<hbm>> -> memref<128x256xf32, #tpu.memory_space<hbm>>
      tpu.enqueue_dma source(%arg12 : memref<128x256xf32, #tpu.memory_space<vmem>>) target(%dma_start3A_100 : memref<128x256xf32, #tpu.memory_space<hbm>>) target_semaphore(%run_scoped3A : memref<!tpu.dma_semaphore, #tpu.memory_space<semaphore_mem>>)
      %dma_wait3A_101 = arith.constant 0 : i32
      %dma_wait3A_102 = tpu.memref_slice %arg10[%add3A_82, %dma_wait3A_101] : memref<16384x256xf32, #tpu.memory_space<hbm>> -> memref<128x256xf32, #tpu.memory_space<hbm>>
      %dma_wait3A_103 = arith.constant 0 : i32
      %dma_wait3A_104 = tpu.memref_slice %arg10[%add3A_82, %dma_wait3A_103] : memref<16384x256xf32, #tpu.memory_space<hbm>> -> memref<128x256xf32, #tpu.memory_space<hbm>>
      tpu.wait_dma2 semaphore(%run_scoped3A : memref<!tpu.dma_semaphore, #tpu.memory_space<semaphore_mem>>) src(%arg12 : memref<128x256xf32, #tpu.memory_space<vmem>>) dst(%dma_wait3A_104 : memref<128x256xf32, #tpu.memory_space<hbm>>)
      tpu.yield
    }) : () -> ()
    %add3A_89 = arith.constant 384 : i32
    %add3A_90 = arith.addi %mul3A_2, %add3A_89 : i32
    "tpu.region"() ({
      %run_scoped3A = tpu.sem_alloc : memref<!tpu.dma_semaphore, #tpu.memory_space<semaphore_mem>>
      %dma_start3A_97 = tpu.memref_slice %arg7[%add3A_90] : memref<16384xi32, #tpu.memory_space<hbm>> -> memref<128xi32, #tpu.memory_space<hbm>>
      %dma_start3A_98 = tpu.memref_slice %arg7[%add3A_90] : memref<16384xi32, #tpu.memory_space<hbm>> -> memref<128xi32, #tpu.memory_space<hbm>>
      tpu.enqueue_dma source(%dma_start3A_98 : memref<128xi32, #tpu.memory_space<hbm>>) target(%arg11 : memref<128xi32, #tpu.memory_space<vmem>>) target_semaphore(%run_scoped3A : memref<!tpu.dma_semaphore, #tpu.memory_space<semaphore_mem>>)
      %dma_wait3A_99 = tpu.memref_slice %arg7[%add3A_90] : memref<16384xi32, #tpu.memory_space<hbm>> -> memref<128xi32, #tpu.memory_space<hbm>>
      %dma_wait3A_100 = tpu.memref_slice %arg7[%add3A_90] : memref<16384xi32, #tpu.memory_space<hbm>> -> memref<128xi32, #tpu.memory_space<hbm>>
      tpu.wait_dma2 semaphore(%run_scoped3A : memref<!tpu.dma_semaphore, #tpu.memory_space<semaphore_mem>>) src(%dma_wait3A_100 : memref<128xi32, #tpu.memory_space<hbm>>) dst(%arg11 : memref<128xi32, #tpu.memory_space<vmem>>)
      tpu.yield
    }) : () -> ()
    %dma_start3A_91 = arith.constant 0 : i32
    %dma_start3A_92 = arith.constant 0 : i32
    %dma_start3A_93 = tpu.memref_slice %arg4[%dma_start3A_91, %dma_start3A_92] : memref<512x256xf32, #tpu.memory_space<hbm>> -> memref<512x256xf32, #tpu.memory_space<hbm>>
    tpu.enqueue_indirect_dma source(%dma_start3A_93 : memref<512x256xf32, #tpu.memory_space<hbm>>) target(%arg12 : memref<128x256xf32, #tpu.memory_space<vmem>>) offsets(%arg11 : memref<128xi32, #tpu.memory_space<vmem>>) semaphore(%arg13 : memref<!tpu.dma_semaphore, #tpu.memory_space<semaphore_mem>>)
    %dma_wait3A_94 = arith.constant 0 : i32
    %dma_wait3A_95 = arith.constant 0 : i32
    %dma_wait3A_96 = tpu.memref_slice %arg4[%dma_wait3A_94, %dma_wait3A_95] : memref<512x256xf32, #tpu.memory_space<hbm>> -> memref<512x256xf32, #tpu.memory_space<hbm>>
    tpu.wait_indirect_dma semaphore(%arg13 : memref<!tpu.dma_semaphore, #tpu.memory_space<semaphore_mem>>) src(%dma_wait3A_96 : memref<512x256xf32, #tpu.memory_space<hbm>>) dst(%arg12 : memref<128x256xf32, #tpu.memory_space<vmem>>)
    "tpu.region"() ({
      %run_scoped3A = tpu.sem_alloc : memref<!tpu.dma_semaphore, #tpu.memory_space<semaphore_mem>>
      %dma_start3A_97 = arith.constant 0 : i32
      %dma_start3A_98 = tpu.memref_slice %arg10[%add3A_90, %dma_start3A_97] : memref<16384x256xf32, #tpu.memory_space<hbm>> -> memref<128x256xf32, #tpu.memory_space<hbm>>
      %dma_start3A_99 = arith.constant 0 : i32
      %dma_start3A_100 = tpu.memref_slice %arg10[%add3A_90, %dma_start3A_99] : memref<16384x256xf32, #tpu.memory_space<hbm>> -> memref<128x256xf32, #tpu.memory_space<hbm>>
      tpu.enqueue_dma source(%arg12 : memref<128x256xf32, #tpu.memory_space<vmem>>) target(%dma_start3A_100 : memref<128x256xf32, #tpu.memory_space<hbm>>) target_semaphore(%run_scoped3A : memref<!tpu.dma_semaphore, #tpu.memory_space<semaphore_mem>>)
      %dma_wait3A_101 = arith.constant 0 : i32
      %dma_wait3A_102 = tpu.memref_slice %arg10[%add3A_90, %dma_wait3A_101] : memref<16384x256xf32, #tpu.memory_space<hbm>> -> memref<128x256xf32, #tpu.memory_space<hbm>>
      %dma_wait3A_103 = arith.constant 0 : i32
      %dma_wait3A_104 = tpu.memref_slice %arg10[%add3A_90, %dma_wait3A_103] : memref<16384x256xf32, #tpu.memory_space<hbm>> -> memref<128x256xf32, #tpu.memory_space<hbm>>
      tpu.wait_dma2 semaphore(%run_scoped3A : memref<!tpu.dma_semaphore, #tpu.memory_space<semaphore_mem>>) src(%arg12 : memref<128x256xf32, #tpu.memory_space<vmem>>) dst(%dma_wait3A_104 : memref<128x256xf32, #tpu.memory_space<hbm>>)
      tpu.yield
    }) : () -> ()
    return
  }
}

module attributes {stable_mosaic.version = 14 : i64} {
  func.func @_body1(%arg0: i32, %arg1: memref<1024x512xf32, #tpu.memory_space<vmem>>, %arg2: memref<512x768xf32, #tpu.memory_space<vmem>>, %arg3: memref<1x768xf32, #tpu.memory_space<vmem>>, %arg4: memref<1024x256xf32, #tpu.memory_space<vmem>>, %arg5: memref<1024x256xf32, #tpu.memory_space<vmem>>, %arg6: memref<512x256xf32, #tpu.memory_space<vmem>>, %arg7: memref<1x1x1024xi32, #tpu.memory_space<vmem>>, %arg8: memref<1x1x1024xi32, #tpu.memory_space<vmem>>, %arg9: memref<1x1x1024xi32, #tpu.memory_space<vmem>>, %arg10: memref<1x3x128xf32, #tpu.memory_space<vmem>>, %arg11: memref<3x1024xf32, #tpu.memory_space<vmem>>) attributes {dimension_semantics = [#tpu.dimension_semantics<arbitrary>], iteration_bounds = array<i64: 16>, scalar_prefetch = 0 : i64, scratch_operands = 1 : i64, tpu.core_type = #tpu.core_type<tc>, window_params = [{transform_indices = @transform_0, window_bounds = array<i64: 1024, 512>}, {pipeline_mode = #tpu.pipeline_mode<synchronous>, transform_indices = @transform_1, window_bounds = array<i64: 512, 768>}, {pipeline_mode = #tpu.pipeline_mode<synchronous>, transform_indices = @transform_2, window_bounds = array<i64: 1, 768>}, {pipeline_mode = #tpu.pipeline_mode<synchronous>, transform_indices = @transform_3, window_bounds = array<i64: 1024, 256>}, {pipeline_mode = #tpu.pipeline_mode<synchronous>, transform_indices = @transform_4, window_bounds = array<i64: 1024, 256>}, {pipeline_mode = #tpu.pipeline_mode<synchronous>, transform_indices = @transform_5, window_bounds = array<i64: 512, 256>}, {transform_indices = @transform_6, window_bounds = array<i64: 1, 1, 1024>}, {transform_indices = @transform_7, window_bounds = array<i64: 1, 1, 1024>}, {transform_indices = @transform_8, window_bounds = array<i64: 1, 1, 1024>}, {transform_indices = @transform_9, window_bounds = array<i64: 1, 3, 128>}]} {
    %eq3A = arith.constant 0 : i32
    %eq3A_0 = arith.cmpi eq, %arg0, %eq3A : i32
    %convert_element_type3A = arith.extui %eq3A_0 : i1 to i32
    %cond3A = arith.constant 0 : i32
    %cond3A_1 = arith.cmpi ne, %convert_element_type3A, %cond3A : i32
    scf.if %cond3A_1 {
      %get3A_140 = arith.constant 0 : index
      %get3A_141 = arith.constant 0 : index
      %get3A_142 = vector.load %arg4[%get3A_140, %get3A_141] : memref<1024x256xf32, #tpu.memory_space<vmem>>, vector<1024x256xf32>
      %get3A_143 = arith.constant 0 : index
      %get3A_144 = arith.constant 0 : index
      %get3A_145 = vector.load %arg4[%get3A_143, %get3A_144] : memref<1024x256xf32, #tpu.memory_space<vmem>>, vector<1024x256xf32>
      %mul3A_146 = arith.mulf %get3A_142, %get3A_145 : vector<1024x256xf32>
      %reduce_sum3A_147 = arith.constant dense<0.000000e+00> : vector<1024xf32>
      %reduce_sum3A_148 = vector.multi_reduction <add>, %mul3A_146, %reduce_sum3A_147 [1] : vector<1024x256xf32> to vector<1024xf32>
      %reshape3A_149 = vector.shape_cast %reduce_sum3A_148 : vector<1024xf32> to vector<1x1024xf32>
      %swap3A_150 = arith.constant 0 : index
      %swap3A_151 = arith.constant 0 : index
      %swap3A_152 = vector.load %arg11[%swap3A_150, %swap3A_151] : memref<3x1024xf32, #tpu.memory_space<vmem>>, vector<1x1024xf32>
      tpu.vector_store %arg11[%swap3A_150, %swap3A_151], %reshape3A_149 {strides = array<i32>} : memref<3x1024xf32, #tpu.memory_space<vmem>>, vector<1x1024xf32>,
      %get3A_153 = arith.constant 0 : index
      %get3A_154 = arith.constant 0 : index
      %get3A_155 = vector.load %arg5[%get3A_153, %get3A_154] : memref<1024x256xf32, #tpu.memory_space<vmem>>, vector<1024x256xf32>
      %get3A_156 = arith.constant 0 : index
      %get3A_157 = arith.constant 0 : index
      %get3A_158 = vector.load %arg5[%get3A_156, %get3A_157] : memref<1024x256xf32, #tpu.memory_space<vmem>>, vector<1024x256xf32>
      %mul3A_159 = arith.mulf %get3A_155, %get3A_158 : vector<1024x256xf32>
      %reduce_sum3A_160 = arith.constant dense<0.000000e+00> : vector<1024xf32>
      %reduce_sum3A_161 = vector.multi_reduction <add>, %mul3A_159, %reduce_sum3A_160 [1] : vector<1024x256xf32> to vector<1024xf32>
      %reshape3A_162 = vector.shape_cast %reduce_sum3A_161 : vector<1024xf32> to vector<1x1024xf32>
      %swap3A_163 = arith.constant 1 : index
      %swap3A_164 = arith.constant 0 : index
      %swap3A_165 = vector.load %arg11[%swap3A_163, %swap3A_164] : memref<3x1024xf32, #tpu.memory_space<vmem>>, vector<1x1024xf32>
      tpu.vector_store %arg11[%swap3A_163, %swap3A_164], %reshape3A_162 {strides = array<i32>} : memref<3x1024xf32, #tpu.memory_space<vmem>>, vector<1x1024xf32>,
      %get3A_166 = arith.constant 0 : index
      %get3A_167 = arith.constant 0 : index
      %get3A_168 = vector.load %arg6[%get3A_166, %get3A_167] : memref<512x256xf32, #tpu.memory_space<vmem>>, vector<512x256xf32>
      %get3A_169 = arith.constant 0 : index
      %get3A_170 = arith.constant 0 : index
      %get3A_171 = vector.load %arg6[%get3A_169, %get3A_170] : memref<512x256xf32, #tpu.memory_space<vmem>>, vector<512x256xf32>
      %mul3A_172 = arith.mulf %get3A_168, %get3A_171 : vector<512x256xf32>
      %reduce_sum3A_173 = arith.constant dense<0.000000e+00> : vector<512xf32>
      %reduce_sum3A_174 = vector.multi_reduction <add>, %mul3A_172, %reduce_sum3A_173 [1] : vector<512x256xf32> to vector<512xf32>
      %reshape3A_175 = vector.shape_cast %reduce_sum3A_174 : vector<512xf32> to vector<1x512xf32>
      %swap3A_176 = arith.constant 2 : index
      %swap3A_177 = arith.constant 0 : index
      %swap3A_178 = vector.load %arg11[%swap3A_176, %swap3A_177] : memref<3x1024xf32, #tpu.memory_space<vmem>>, vector<1x512xf32>
      tpu.vector_store %arg11[%swap3A_176, %swap3A_177], %reshape3A_175 {strides = array<i32>} : memref<3x1024xf32, #tpu.memory_space<vmem>>, vector<1x512xf32>,
    } else {
    }
    %get3A = arith.constant 0 : index
    %get3A_2 = arith.constant 0 : index
    %get3A_3 = vector.load %arg1[%get3A, %get3A_2] : memref<1024x512xf32, #tpu.memory_space<vmem>>, vector<1024x512xf32>
    %get3A_4 = arith.constant 0 : index
    %get3A_5 = arith.constant 0 : index
    %get3A_6 = vector.load %arg2[%get3A_4, %get3A_5] : memref<512x768xf32, #tpu.memory_space<vmem>>, vector<512x768xf32>
    %dot_general3A = arith.constant dense<0.000000e+00> : vector<1024x768xf32>
    %dot_general3A_7 = tpu.matmul %get3A_3, %get3A_6, %dot_general3A {dimension_numbers = #tpu.dot_dimension_numbers<[1], [0], [0], [1], [0, 0, 1, 1], [], []>, transpose_lhs_hint = false} : vector<1024x512xf32>, vector<512x768xf32>, vector<1024x768xf32> -> vector<1024x768xf32>
    %get3A_8 = arith.constant 0 : index
    %get3A_9 = arith.constant 0 : index
    %get3A_10 = vector.load %arg3[%get3A_8, %get3A_9] : memref<1x768xf32, #tpu.memory_space<vmem>>, vector<1x768xf32>
    %add3A = vector.broadcast %get3A_10 : vector<1x768xf32> to vector<1024x768xf32>
    %add3A_11 = arith.addf %dot_general3A_7, %add3A : vector<1024x768xf32>
    %add3A_12 = arith.addf %add3A_11, %add3A_11 : vector<1024x768xf32>
    %iota3A = tpu.iota {dimensions = array<i32: 1>} : vector<1024x1024xi32>
    %convert_element_type3A_13 = arith.sitofp %iota3A : vector<1024x1024xi32> to vector<1024x1024xf32>
    %iota3A_14 = tpu.iota {dimensions = array<i32: 1>} : vector<1024x512xi32>
    %convert_element_type3A_15 = arith.sitofp %iota3A_14 : vector<1024x512xi32> to vector<1024x512xf32>
    %slice3A = vector.extract_strided_slice %add3A_11 {offsets = [0, 0], sizes = [1024, 256], strides = [1, 1]} : vector<1024x768xf32> to vector<1024x256xf32>
    %slice3A_16 = vector.extract_strided_slice %add3A_12 {offsets = [0, 0], sizes = [1024, 256], strides = [1, 1]} : vector<1024x768xf32> to vector<1024x256xf32>
    %get3A_17 = arith.constant 0 : index
    %get3A_18 = arith.constant 0 : index
    %get3A_19 = vector.load %arg11[%get3A_17, %get3A_18] : memref<3x1024xf32, #tpu.memory_space<vmem>>, vector<1x1024xf32>
    %get3A_20 = arith.constant 0 : index
    %get3A_21 = arith.constant 0 : index
    %get3A_22 = vector.load %arg4[%get3A_20, %get3A_21] : memref<1024x256xf32, #tpu.memory_space<vmem>>, vector<1024x256xf32>
    %mul3A = arith.mulf %slice3A, %slice3A : vector<1024x256xf32>
    %reduce_sum3A = arith.constant dense<0.000000e+00> : vector<1024xf32>
    %reduce_sum3A_23 = vector.multi_reduction <add>, %mul3A, %reduce_sum3A [1] : vector<1024x256xf32> to vector<1024xf32>
    %broadcast_in_dim3A = vector.shape_cast %reduce_sum3A_23 : vector<1024xf32> to vector<1024x1xf32>
    %dot_general3A_24 = arith.constant dense<0.000000e+00> : vector<1024x1024xf32>
    %dot_general3A_25 = tpu.matmul %slice3A_16, %get3A_22, %dot_general3A_24 {dimension_numbers = #tpu.dot_dimension_numbers<[1], [1], [0], [0], [0, 0, 1, 0], [], []>, transpose_lhs_hint = false} : vector<1024x256xf32>, vector<1024x256xf32>, vector<1024x1024xf32> -> vector<1024x1024xf32>
    %add3A_26 = vector.broadcast %broadcast_in_dim3A : vector<1024x1xf32> to vector<1024x1024xf32>
    %add3A_27 = vector.broadcast %get3A_19 : vector<1x1024xf32> to vector<1024x1024xf32>
    %add3A_28 = arith.addf %add3A_26, %add3A_27 : vector<1024x1024xf32>
    %sub3A = arith.subf %add3A_28, %dot_general3A_25 : vector<1024x1024xf32>
    %reduce_min3A = arith.constant dense<0x7F800000> : vector<1024xf32>
    %reduce_min3A_29 = vector.multi_reduction <minimumf>, %sub3A, %reduce_min3A [1] : vector<1024x1024xf32> to vector<1024xf32>
    %broadcast_in_dim3A_30 = vector.shape_cast %reduce_min3A_29 : vector<1024xf32> to vector<1024x1xf32>
    %eq3A_31 = vector.broadcast %broadcast_in_dim3A_30 : vector<1024x1xf32> to vector<1024x1024xf32>
    %eq3A_32 = arith.cmpf oeq, %sub3A, %eq3A_31 : vector<1024x1024xf32>
    %jit3A = arith.constant 1.024000e+03 : f32
    %broadcast_in_dim3A_33 = vector.broadcast %jit3A : f32 to vector<1024x1024xf32>
    %select_n3A = arith.select %eq3A_32, %convert_element_type3A_13, %broadcast_in_dim3A_33 : vector<1024x1024xi1>, vector<1024x1024xf32>
    %reduce_min3A_34 = arith.constant dense<0x7F800000> : vector<1024xf32>
    %reduce_min3A_35 = vector.multi_reduction <minimumf>, %select_n3A, %reduce_min3A_34 [1] : vector<1024x1024xf32> to vector<1024xf32>
    %convert_element_type3A_36 = arith.fptosi %reduce_min3A_35 : vector<1024xf32> to vector<1024xi32>
    %reduce_sum3A_37 = vector.shape_cast %broadcast_in_dim3A_30 : vector<1024x1xf32> to vector<1x1024x1xf32>
    %reduce_sum3A_38 = arith.constant dense<0.000000e+00> : vector<1xf32>
    %reduce_sum3A_39 = vector.multi_reduction <add>, %reduce_sum3A_37, %reduce_sum3A_38 [1, 2] : vector<1x1024x1xf32> to vector<1xf32>
    %reduce_sum3A_40 = vector.shape_cast %reduce_sum3A_39 : vector<1xf32> to vector<1x1x1xf32>
    %reduce_sum3A_41 = vector.extract %reduce_sum3A_40[0, 0, 0] : f32 from vector<1x1x1xf32>
    %slice3A_42 = vector.extract_strided_slice %add3A_11 {offsets = [0, 256], sizes = [1024, 256], strides = [1, 1]} : vector<1024x768xf32> to vector<1024x256xf32>
    %slice3A_43 = vector.extract_strided_slice %add3A_12 {offsets = [0, 256], sizes = [1024, 256], strides = [1, 1]} : vector<1024x768xf32> to vector<1024x256xf32>
    %get3A_44 = arith.constant 1 : index
    %get3A_45 = arith.constant 0 : index
    %get3A_46 = vector.load %arg11[%get3A_44, %get3A_45] : memref<3x1024xf32, #tpu.memory_space<vmem>>, vector<1x1024xf32>
    %get3A_47 = arith.constant 0 : index
    %get3A_48 = arith.constant 0 : index
    %get3A_49 = vector.load %arg5[%get3A_47, %get3A_48] : memref<1024x256xf32, #tpu.memory_space<vmem>>, vector<1024x256xf32>
    %mul3A_50 = arith.mulf %slice3A_42, %slice3A_42 : vector<1024x256xf32>
    %reduce_sum3A_51 = arith.constant dense<0.000000e+00> : vector<1024xf32>
    %reduce_sum3A_52 = vector.multi_reduction <add>, %mul3A_50, %reduce_sum3A_51 [1] : vector<1024x256xf32> to vector<1024xf32>
    %broadcast_in_dim3A_53 = vector.shape_cast %reduce_sum3A_52 : vector<1024xf32> to vector<1024x1xf32>
    %dot_general3A_54 = arith.constant dense<0.000000e+00> : vector<1024x1024xf32>
    %dot_general3A_55 = tpu.matmul %slice3A_43, %get3A_49, %dot_general3A_54 {dimension_numbers = #tpu.dot_dimension_numbers<[1], [1], [0], [0], [0, 0, 1, 0], [], []>, transpose_lhs_hint = false} : vector<1024x256xf32>, vector<1024x256xf32>, vector<1024x1024xf32> -> vector<1024x1024xf32>
    %add3A_56 = vector.broadcast %broadcast_in_dim3A_53 : vector<1024x1xf32> to vector<1024x1024xf32>
    %add3A_57 = vector.broadcast %get3A_46 : vector<1x1024xf32> to vector<1024x1024xf32>
    %add3A_58 = arith.addf %add3A_56, %add3A_57 : vector<1024x1024xf32>
    %sub3A_59 = arith.subf %add3A_58, %dot_general3A_55 : vector<1024x1024xf32>
    %reduce_min3A_60 = arith.constant dense<0x7F800000> : vector<1024xf32>
    %reduce_min3A_61 = vector.multi_reduction <minimumf>, %sub3A_59, %reduce_min3A_60 [1] : vector<1024x1024xf32> to vector<1024xf32>
    %broadcast_in_dim3A_62 = vector.shape_cast %reduce_min3A_61 : vector<1024xf32> to vector<1024x1xf32>
    %eq3A_63 = vector.broadcast %broadcast_in_dim3A_62 : vector<1024x1xf32> to vector<1024x1024xf32>
    %eq3A_64 = arith.cmpf oeq, %sub3A_59, %eq3A_63 : vector<1024x1024xf32>
    %jit3A_65 = arith.constant 1.024000e+03 : f32
    %broadcast_in_dim3A_66 = vector.broadcast %jit3A_65 : f32 to vector<1024x1024xf32>
    %select_n3A_67 = arith.select %eq3A_64, %convert_element_type3A_13, %broadcast_in_dim3A_66 : vector<1024x1024xi1>, vector<1024x1024xf32>
    %reduce_min3A_68 = arith.constant dense<0x7F800000> : vector<1024xf32>
    %reduce_min3A_69 = vector.multi_reduction <minimumf>, %select_n3A_67, %reduce_min3A_68 [1] : vector<1024x1024xf32> to vector<1024xf32>
    %convert_element_type3A_70 = arith.fptosi %reduce_min3A_69 : vector<1024xf32> to vector<1024xi32>
    %reduce_sum3A_71 = vector.shape_cast %broadcast_in_dim3A_62 : vector<1024x1xf32> to vector<1x1024x1xf32>
    %reduce_sum3A_72 = arith.constant dense<0.000000e+00> : vector<1xf32>
    %reduce_sum3A_73 = vector.multi_reduction <add>, %reduce_sum3A_71, %reduce_sum3A_72 [1, 2] : vector<1x1024x1xf32> to vector<1xf32>
    %reduce_sum3A_74 = vector.shape_cast %reduce_sum3A_73 : vector<1xf32> to vector<1x1x1xf32>
    %reduce_sum3A_75 = vector.extract %reduce_sum3A_74[0, 0, 0] : f32 from vector<1x1x1xf32>
    %slice3A_76 = vector.extract_strided_slice %add3A_11 {offsets = [0, 512], sizes = [1024, 256], strides = [1, 1]} : vector<1024x768xf32> to vector<1024x256xf32>
    %slice3A_77 = vector.extract_strided_slice %add3A_12 {offsets = [0, 512], sizes = [1024, 256], strides = [1, 1]} : vector<1024x768xf32> to vector<1024x256xf32>
    %get3A_78 = arith.constant 2 : index
    %get3A_79 = arith.constant 0 : index
    %get3A_80 = vector.load %arg11[%get3A_78, %get3A_79] : memref<3x1024xf32, #tpu.memory_space<vmem>>, vector<1x512xf32>
    %get3A_81 = arith.constant 0 : index
    %get3A_82 = arith.constant 0 : index
    %get3A_83 = vector.load %arg6[%get3A_81, %get3A_82] : memref<512x256xf32, #tpu.memory_space<vmem>>, vector<512x256xf32>
    %mul3A_84 = arith.mulf %slice3A_76, %slice3A_76 : vector<1024x256xf32>
    %reduce_sum3A_85 = arith.constant dense<0.000000e+00> : vector<1024xf32>
    %reduce_sum3A_86 = vector.multi_reduction <add>, %mul3A_84, %reduce_sum3A_85 [1] : vector<1024x256xf32> to vector<1024xf32>
    %broadcast_in_dim3A_87 = vector.shape_cast %reduce_sum3A_86 : vector<1024xf32> to vector<1024x1xf32>
    %dot_general3A_88 = arith.constant dense<0.000000e+00> : vector<1024x512xf32>
    %dot_general3A_89 = tpu.matmul %slice3A_77, %get3A_83, %dot_general3A_88 {dimension_numbers = #tpu.dot_dimension_numbers<[1], [1], [0], [0], [0, 0, 1, 0], [], []>, transpose_lhs_hint = false} : vector<1024x256xf32>, vector<512x256xf32>, vector<1024x512xf32> -> vector<1024x512xf32>
    %add3A_90 = vector.broadcast %broadcast_in_dim3A_87 : vector<1024x1xf32> to vector<1024x512xf32>
    %add3A_91 = vector.broadcast %get3A_80 : vector<1x512xf32> to vector<1024x512xf32>
    %add3A_92 = arith.addf %add3A_90, %add3A_91 : vector<1024x512xf32>
    %sub3A_93 = arith.subf %add3A_92, %dot_general3A_89 : vector<1024x512xf32>
    %reduce_min3A_94 = arith.constant dense<0x7F800000> : vector<1024xf32>
    %reduce_min3A_95 = vector.multi_reduction <minimumf>, %sub3A_93, %reduce_min3A_94 [1] : vector<1024x512xf32> to vector<1024xf32>
    %broadcast_in_dim3A_96 = vector.shape_cast %reduce_min3A_95 : vector<1024xf32> to vector<1024x1xf32>
    %eq3A_97 = vector.broadcast %broadcast_in_dim3A_96 : vector<1024x1xf32> to vector<1024x512xf32>
    %eq3A_98 = arith.cmpf oeq, %sub3A_93, %eq3A_97 : vector<1024x512xf32>
    %jit3A_99 = arith.constant 5.120000e+02 : f32
    %broadcast_in_dim3A_100 = vector.broadcast %jit3A_99 : f32 to vector<1024x512xf32>
    %select_n3A_101 = arith.select %eq3A_98, %convert_element_type3A_15, %broadcast_in_dim3A_100 : vector<1024x512xi1>, vector<1024x512xf32>
    %reduce_min3A_102 = arith.constant dense<0x7F800000> : vector<1024xf32>
    %reduce_min3A_103 = vector.multi_reduction <minimumf>, %select_n3A_101, %reduce_min3A_102 [1] : vector<1024x512xf32> to vector<1024xf32>
    %convert_element_type3A_104 = arith.fptosi %reduce_min3A_103 : vector<1024xf32> to vector<1024xi32>
    %reduce_sum3A_105 = vector.shape_cast %broadcast_in_dim3A_96 : vector<1024x1xf32> to vector<1x1024x1xf32>
    %reduce_sum3A_106 = arith.constant dense<0.000000e+00> : vector<1xf32>
    %reduce_sum3A_107 = vector.multi_reduction <add>, %reduce_sum3A_105, %reduce_sum3A_106 [1, 2] : vector<1x1024x1xf32> to vector<1xf32>
    %reduce_sum3A_108 = vector.shape_cast %reduce_sum3A_107 : vector<1xf32> to vector<1x1x1xf32>
    %reduce_sum3A_109 = vector.extract %reduce_sum3A_108[0, 0, 0] : f32 from vector<1x1x1xf32>
    %reshape3A = vector.shape_cast %convert_element_type3A_36 : vector<1024xi32> to vector<1x1x1024xi32>
    %swap3A = arith.constant 0 : index
    %swap3A_110 = arith.constant 0 : index
    %swap3A_111 = arith.constant 0 : index
    %swap3A_112 = vector.load %arg7[%swap3A, %swap3A_110, %swap3A_111] : memref<1x1x1024xi32, #tpu.memory_space<vmem>>, vector<1x1x1024xi32>
    tpu.vector_store %arg7[%swap3A, %swap3A_110, %swap3A_111], %reshape3A {strides = array<i32>} : memref<1x1x1024xi32, #tpu.memory_space<vmem>>, vector<1x1x1024xi32>,
    %reshape3A_113 = vector.shape_cast %convert_element_type3A_70 : vector<1024xi32> to vector<1x1x1024xi32>
    %swap3A_114 = arith.constant 0 : index
    %swap3A_115 = arith.constant 0 : index
    %swap3A_116 = arith.constant 0 : index
    %swap3A_117 = vector.load %arg8[%swap3A_114, %swap3A_115, %swap3A_116] : memref<1x1x1024xi32, #tpu.memory_space<vmem>>, vector<1x1x1024xi32>
    tpu.vector_store %arg8[%swap3A_114, %swap3A_115, %swap3A_116], %reshape3A_113 {strides = array<i32>} : memref<1x1x1024xi32, #tpu.memory_space<vmem>>, vector<1x1x1024xi32>,
    %reshape3A_118 = vector.shape_cast %convert_element_type3A_104 : vector<1024xi32> to vector<1x1x1024xi32>
    %swap3A_119 = arith.constant 0 : index
    %swap3A_120 = arith.constant 0 : index
    %swap3A_121 = arith.constant 0 : index
    %swap3A_122 = vector.load %arg9[%swap3A_119, %swap3A_120, %swap3A_121] : memref<1x1x1024xi32, #tpu.memory_space<vmem>>, vector<1x1x1024xi32>
    tpu.vector_store %arg9[%swap3A_119, %swap3A_120, %swap3A_121], %reshape3A_118 {strides = array<i32>} : memref<1x1x1024xi32, #tpu.memory_space<vmem>>, vector<1x1x1024xi32>,
    %iota3A_123 = tpu.iota {dimensions = array<i32: 0>} : vector<3x128xi32>
    %eq3A_124 = arith.constant 0 : i32
    %eq3A_125 = vector.broadcast %eq3A_124 : i32 to vector<3x128xi32>
    %eq3A_126 = arith.cmpi eq, %iota3A_123, %eq3A_125 : vector<3x128xi32>
    %eq3A_127 = arith.constant 1 : i32
    %eq3A_128 = vector.broadcast %eq3A_127 : i32 to vector<3x128xi32>
    %eq3A_129 = arith.cmpi eq, %iota3A_123, %eq3A_128 : vector<3x128xi32>
    %broadcast_in_dim3A_130 = vector.broadcast %reduce_sum3A_75 : f32 to vector<3x128xf32>
    %broadcast_in_dim3A_131 = vector.broadcast %reduce_sum3A_109 : f32 to vector<3x128xf32>
    %select_n3A_132 = arith.select %eq3A_129, %broadcast_in_dim3A_130, %broadcast_in_dim3A_131 : vector<3x128xi1>, vector<3x128xf32>
    %broadcast_in_dim3A_133 = vector.broadcast %reduce_sum3A_41 : f32 to vector<3x128xf32>
    %select_n3A_134 = arith.select %eq3A_126, %broadcast_in_dim3A_133, %select_n3A_132 : vector<3x128xi1>, vector<3x128xf32>
    %reshape3A_135 = vector.shape_cast %select_n3A_134 : vector<3x128xf32> to vector<1x3x128xf32>
    %swap3A_136 = arith.constant 0 : index
    %swap3A_137 = arith.constant 0 : index
    %swap3A_138 = arith.constant 0 : index
    %swap3A_139 = vector.load %arg10[%swap3A_136, %swap3A_137, %swap3A_138] : memref<1x3x128xf32, #tpu.memory_space<vmem>>, vector<1x3x128xf32>
    tpu.vector_store %arg10[%swap3A_136, %swap3A_137, %swap3A_138], %reshape3A_135 {strides = array<i32>} : memref<1x3x128xf32, #tpu.memory_space<vmem>>, vector<1x3x128xf32>,
    return
  }
  func.func @transform_0(%arg0: i32) -> (i32, i32) {
    %c0_i32 = arith.constant 0 : i32
    %c0_i32_0 = arith.constant 0 : i32
    return %arg0, %c0_i32 : i32, i32
  }
  func.func @transform_1(%arg0: i32) -> (i32, i32) {
    %c0_i32 = arith.constant 0 : i32
    %c0_i32_0 = arith.constant 0 : i32
    %c0_i32_1 = arith.constant 0 : i32
    return %c0_i32, %c0_i32_0 : i32, i32
  }
  func.func @transform_2(%arg0: i32) -> (i32, i32) {
    %c0_i32 = arith.constant 0 : i32
    %c0_i32_0 = arith.constant 0 : i32
    %c0_i32_1 = arith.constant 0 : i32
    return %c0_i32, %c0_i32_0 : i32, i32
  }
  func.func @transform_3(%arg0: i32) -> (i32, i32) {
    %c0_i32 = arith.constant 0 : i32
    %c0_i32_0 = arith.constant 0 : i32
    %c0_i32_1 = arith.constant 0 : i32
    return %c0_i32, %c0_i32_0 : i32, i32
  }
  func.func @transform_4(%arg0: i32) -> (i32, i32) {
    %c0_i32 = arith.constant 0 : i32
    %c0_i32_0 = arith.constant 0 : i32
    %c0_i32_1 = arith.constant 0 : i32
    return %c0_i32, %c0_i32_0 : i32, i32
  }
  func.func @transform_5(%arg0: i32) -> (i32, i32) {
    %c0_i32 = arith.constant 0 : i32
    %c0_i32_0 = arith.constant 0 : i32
    %c0_i32_1 = arith.constant 0 : i32
    return %c0_i32, %c0_i32_0 : i32, i32
  }
  func.func @transform_6(%arg0: i32) -> (i32, i32, i32) {
    %c0_i32 = arith.constant 0 : i32
    %c0_i32_0 = arith.constant 0 : i32
    %c0_i32_1 = arith.constant 0 : i32
    return %arg0, %c0_i32, %c0_i32_0 : i32, i32, i32
  }
  func.func @transform_7(%arg0: i32) -> (i32, i32, i32) {
    %c0_i32 = arith.constant 0 : i32
    %c0_i32_0 = arith.constant 0 : i32
    %c0_i32_1 = arith.constant 0 : i32
    return %arg0, %c0_i32, %c0_i32_0 : i32, i32, i32
  }
  func.func @transform_8(%arg0: i32) -> (i32, i32, i32) {
    %c0_i32 = arith.constant 0 : i32
    %c0_i32_0 = arith.constant 0 : i32
    %c0_i32_1 = arith.constant 0 : i32
    return %arg0, %c0_i32, %c0_i32_0 : i32, i32, i32
  }
  func.func @transform_9(%arg0: i32) -> (i32, i32, i32) {
    %c0_i32 = arith.constant 0 : i32
    %c0_i32_0 = arith.constant 0 : i32
    %c0_i32_1 = arith.constant 0 : i32
    return %arg0, %c0_i32, %c0_i32_0 : i32, i32, i32
  }
}

module attributes {stable_mosaic.version = 14 : i64} {
  func.func @_body3(%arg0: i32, %arg1: memref<1024x256xf32, #tpu.memory_space<vmem>>, %arg2: memref<1024x256xf32, #tpu.memory_space<vmem>>, %arg3: memref<1024x256xf32, #tpu.memory_space<vmem>>, %arg4: memref<256x512xbf16, #tpu.memory_space<vmem>>, %arg5: memref<256x512xbf16, #tpu.memory_space<vmem>>, %arg6: memref<256x512xbf16, #tpu.memory_space<vmem>>, %arg7: memref<1x512xf32, #tpu.memory_space<vmem>>, %arg8: memref<1024x512xf32, #tpu.memory_space<vmem>>) attributes {dimension_semantics = [#tpu.dimension_semantics<arbitrary>], iteration_bounds = array<i64: 16>, scalar_prefetch = 0 : i64, scratch_operands = 0 : i64, tpu.core_type = #tpu.core_type<tc>, window_params = [{transform_indices = @transform_0, window_bounds = array<i64: 1024, 256>}, {transform_indices = @transform_1, window_bounds = array<i64: 1024, 256>}, {transform_indices = @transform_2, window_bounds = array<i64: 1024, 256>}, {pipeline_mode = #tpu.pipeline_mode<synchronous>, transform_indices = @transform_3, window_bounds = array<i64: 256, 512>}, {pipeline_mode = #tpu.pipeline_mode<synchronous>, transform_indices = @transform_4, window_bounds = array<i64: 256, 512>}, {pipeline_mode = #tpu.pipeline_mode<synchronous>, transform_indices = @transform_5, window_bounds = array<i64: 256, 512>}, {pipeline_mode = #tpu.pipeline_mode<synchronous>, transform_indices = @transform_6, window_bounds = array<i64: 1, 512>}, {transform_indices = @transform_7, window_bounds = array<i64: 1024, 512>}]} {
    %get3A = arith.constant 0 : index
    %get3A_0 = arith.constant 0 : index
    %get3A_1 = vector.load %arg1[%get3A, %get3A_0] : memref<1024x256xf32, #tpu.memory_space<vmem>>, vector<1024x256xf32>
    %convert_element_type3A = arith.truncf %get3A_1 : vector<1024x256xf32> to vector<1024x256xbf16>
    %get3A_2 = arith.constant 0 : index
    %get3A_3 = arith.constant 0 : index
    %get3A_4 = vector.load %arg4[%get3A_2, %get3A_3] : memref<256x512xbf16, #tpu.memory_space<vmem>>, vector<256x512xbf16>
    %dot_general3A = arith.constant dense<0.000000e+00> : vector<1024x512xf32>
    %dot_general3A_5 = tpu.matmul %convert_element_type3A, %get3A_4, %dot_general3A {dimension_numbers = #tpu.dot_dimension_numbers<[1], [0], [0], [1], [0, 0, 1, 1], [], []>, transpose_lhs_hint = false} : vector<1024x256xbf16>, vector<256x512xbf16>, vector<1024x512xf32> -> vector<1024x512xf32>
    %get3A_6 = arith.constant 0 : index
    %get3A_7 = arith.constant 0 : index
    %get3A_8 = vector.load %arg2[%get3A_6, %get3A_7] : memref<1024x256xf32, #tpu.memory_space<vmem>>, vector<1024x256xf32>
    %convert_element_type3A_9 = arith.truncf %get3A_8 : vector<1024x256xf32> to vector<1024x256xbf16>
    %get3A_10 = arith.constant 0 : index
    %get3A_11 = arith.constant 0 : index
    %get3A_12 = vector.load %arg5[%get3A_10, %get3A_11] : memref<256x512xbf16, #tpu.memory_space<vmem>>, vector<256x512xbf16>
    %dot_general3A_13 = arith.constant dense<0.000000e+00> : vector<1024x512xf32>
    %dot_general3A_14 = tpu.matmul %convert_element_type3A_9, %get3A_12, %dot_general3A_13 {dimension_numbers = #tpu.dot_dimension_numbers<[1], [0], [0], [1], [0, 0, 1, 1], [], []>, transpose_lhs_hint = false} : vector<1024x256xbf16>, vector<256x512xbf16>, vector<1024x512xf32> -> vector<1024x512xf32>
    %get3A_15 = arith.constant 0 : index
    %get3A_16 = arith.constant 0 : index
    %get3A_17 = vector.load %arg3[%get3A_15, %get3A_16] : memref<1024x256xf32, #tpu.memory_space<vmem>>, vector<1024x256xf32>
    %convert_element_type3A_18 = arith.truncf %get3A_17 : vector<1024x256xf32> to vector<1024x256xbf16>
    %get3A_19 = arith.constant 0 : index
    %get3A_20 = arith.constant 0 : index
    %get3A_21 = vector.load %arg6[%get3A_19, %get3A_20] : memref<256x512xbf16, #tpu.memory_space<vmem>>, vector<256x512xbf16>
    %dot_general3A_22 = arith.constant dense<0.000000e+00> : vector<1024x512xf32>
    %dot_general3A_23 = tpu.matmul %convert_element_type3A_18, %get3A_21, %dot_general3A_22 {dimension_numbers = #tpu.dot_dimension_numbers<[1], [0], [0], [1], [0, 0, 1, 1], [], []>, transpose_lhs_hint = false} : vector<1024x256xbf16>, vector<256x512xbf16>, vector<1024x512xf32> -> vector<1024x512xf32>
    %add3A = arith.addf %dot_general3A_5, %dot_general3A_14 : vector<1024x512xf32>
    %add3A_24 = arith.addf %add3A, %dot_general3A_23 : vector<1024x512xf32>
    %get3A_25 = arith.constant 0 : index
    %get3A_26 = arith.constant 0 : index
    %get3A_27 = vector.load %arg7[%get3A_25, %get3A_26] : memref<1x512xf32, #tpu.memory_space<vmem>>, vector<1x512xf32>
    %add3A_28 = vector.broadcast %get3A_27 : vector<1x512xf32> to vector<1024x512xf32>
    %add3A_29 = arith.addf %add3A_24, %add3A_28 : vector<1024x512xf32>
    %swap3A = arith.constant 0 : index
    %swap3A_30 = arith.constant 0 : index
    %swap3A_31 = vector.load %arg8[%swap3A, %swap3A_30] : memref<1024x512xf32, #tpu.memory_space<vmem>>, vector<1024x512xf32>
    tpu.vector_store %arg8[%swap3A, %swap3A_30], %add3A_29 {strides = array<i32>} : memref<1024x512xf32, #tpu.memory_space<vmem>>, vector<1024x512xf32>,
    return
  }
  func.func @transform_0(%arg0: i32) -> (i32, i32) {
    %c0_i32 = arith.constant 0 : i32
    %c0_i32_0 = arith.constant 0 : i32
    return %arg0, %c0_i32 : i32, i32
  }
  func.func @transform_1(%arg0: i32) -> (i32, i32) {
    %c0_i32 = arith.constant 0 : i32
    %c0_i32_0 = arith.constant 0 : i32
    return %arg0, %c0_i32 : i32, i32
  }
  func.func @transform_2(%arg0: i32) -> (i32, i32) {
    %c0_i32 = arith.constant 0 : i32
    %c0_i32_0 = arith.constant 0 : i32
    return %arg0, %c0_i32 : i32, i32
  }
  func.func @transform_3(%arg0: i32) -> (i32, i32) {
    %c0_i32 = arith.constant 0 : i32
    %c0_i32_0 = arith.constant 0 : i32
    %c0_i32_1 = arith.constant 0 : i32
    return %c0_i32, %c0_i32_0 : i32, i32
  }
  func.func @transform_4(%arg0: i32) -> (i32, i32) {
    %c0_i32 = arith.constant 0 : i32
    %c0_i32_0 = arith.constant 0 : i32
    %c0_i32_1 = arith.constant 0 : i32
    return %c0_i32, %c0_i32_0 : i32, i32
  }
  func.func @transform_5(%arg0: i32) -> (i32, i32) {
    %c0_i32 = arith.constant 0 : i32
    %c0_i32_0 = arith.constant 0 : i32
    %c0_i32_1 = arith.constant 0 : i32
    return %c0_i32, %c0_i32_0 : i32, i32
  }
  func.func @transform_6(%arg0: i32) -> (i32, i32) {
    %c0_i32 = arith.constant 0 : i32
    %c0_i32_0 = arith.constant 0 : i32
    %c0_i32_1 = arith.constant 0 : i32
    return %c0_i32, %c0_i32_0 : i32, i32
  }
  func.func @transform_7(%arg0: i32) -> (i32, i32) {
    %c0_i32 = arith.constant 0 : i32
    %c0_i32_0 = arith.constant 0 : i32
    return %arg0, %c0_i32 : i32, i32
  }
}

</mosaic_0001>

<sc_bundles>
// kernel: kernel.5.cloned.1.call-start
scs
__scs_entry_jumppad:
0x0: {  	(pc) =	sbr.rel $0x88, $3  }
0x1: {  	(tag) =	ssettag $0x0;
	lr =	simm.s32 $0x1  }
0x2: {  	[smem:$0x3F95] =	sst lr;
	_ =	strace $0xD0000000  }
0x3: {  	_ = 	snop  }
0x4: {  	_ = 	snop  }
0x5: {  	_ = 	snop  }
0x6: {  	_ = 	snop  }
0x7: {  	_ = 	snop  }
__scs_overlays_trampoline_lowered:
0x8: {  	[smem:$0x3FA4] =	sst s0  }
0x9: {  	[smem:$0x3FA5] =	sst s1  }
0xa: {  	[smem:$0x3FA6] =	sst s2  }
0xb: {  	[smem:$0x3FA7] =	sst s3  }
0xc: {  	[smem:$0x3FA8] =	sst s4  }
0xd: {  	[smem:$0x3FA9] =	sst s5  }
0xe: {  	[smem:$0x3FAA] =	sst s6  }
0xf: {  	[smem:$0x3FAB] =	sst s7  }
0x10: {  	[smem:$0x3FAC] =	sst s8  }
0x11: {  	[smem:$0x3FAD] =	sst s9;
	s0 =	simm.s32 @!p0 $0x0  }
0x12: {  	s1 =	sld [smem:$0x3F93];
	s0 =	simm.s32 @p0 $0x1  }
0x13: {  	[smem:$0x3FAE] =	sst s0;
	s0 =	simm.s32 @!p1 $0x0  }
0x14: {  	s2 =	sld [smem:$0x3F92];
	s0 =	simm.s32 @p1 $0x1  }
0x15: {  	[smem:$0x3FAF] =	sst s0;
	s0 =	simm.s32 @!p2 $0x0  }
0x16: {  	s3 =	sld [smem:$0x3FDB];
	s0 =	simm.s32 @p2 $0x1  }
0x17: {  	s4 =	simm.s32 $0x1BF5;
	[smem:$0x3FB1] =	sst s0  }
0x18: {  	s0 =	sld [smem:$0x3F94];
	_ =	swait.ge [sflag:s4], $0x0  }
0x19: {  	s7 =	sld [smem:$0x3F95]  }
0x1a: {  	s8 =	sadd.s32 $0xFFFFE003, lr  }
0x1b: {  	s9 =	sadd.s32 $0xFFFFFEF7, lr;
	s5 =	simm.s32 $0xFFFFFFFF;
	p2 =	slt.u32 s8, $0xFFFFF086  }
0x1c: {  	p1 =	slt.u32 s9, $0xF7A;
	s5 =	simm.s32 @!p2 $0x0  }
0x1d: {  	s5 =	simm.s32 @p1 $0x1;
	p0 =	seq.s32 s7, s2  }
0x1e: {  	s7 =	smul.u32 @!p0 $0xF7A, s2;
	p2 =	seq.s32 @!p0 s5, $0x0  }
0x1f: {  	s9 =	smul.u32 $0xF7A, s1;
	s8 =	simm.s32 @!p0 $0x1BF5;
	p2 =	por !p2, p0  }
0x20: {  	[sflag:s8] =	ssyncset.s32 @!p0 $0xFFFFF086;
	s6 =	sadd.s32 @!p0 s3, s7;
	s7 =	simm.s32 @!p0 $0x108  }
0x21: {  	s3 =	sadd.s32 s3, s9;
	s6 =	sadd.s32 @!p0 $0x88, s6;
	s7 =	simm.s32 @p2 $0x1082  }
0x22: {  	[simem:s7], [sflag:s8] =	dma.local @!p0 [hbm:s6], $0xF7A  }
0x23: {  	s9 =	sor.u32 $0xD0000000, s2;
	s6 =	simm.s32 $0x108;
	_ =	swait.ge @!p0 [sflag:s8], $0x0  }
0x24: {  	s3 =	sadd.s32 $0x88, s3;
	s6 =	simm.s32 @!p1 $0x1082;
	[sflag:s4] =	ssyncset.s32 $0xFFFFF086  }
0x25: {  	[simem:s6], [sflag:s4] =	dma.local [hbm:s3], $0xF7A  }
0x26: {  	[smem:$0x3F95] =	sst s1;
	(tag) =	ssettag s2;
	_ =	strace s9  }
0x27: {  	s1 =	sld [smem:$0x3FA5]  }
0x28: {  	s2 =	sld [smem:$0x3FA6]  }
0x29: {  	s4 =	sld [smem:$0x3FA8]  }
0x2a: {  	p0 =	seq.s32 s5, $0x0;
	s5 =	sld [smem:$0x3FA9]  }
0x2b: {  	s6 =	sld [smem:$0x3FAA]  }
0x2c: {  	s7 =	sld [smem:$0x3FAB]  }
0x2d: {  	s3 =	simm.s32 $0x108;
	s8 =	sld [smem:$0x3FAC]  }
0x2e: {  	s3 =	simm.s32 @!p0 $0x1082;
	s9 =	sld [smem:$0x3FAD]  }
0x2f: {  	lr =	sadd.s32 s0, s3;
	s0 =	sld [smem:$0x3FA4]  }
0x30: {  	s3 =	sld [smem:$0x3FA7]  }
0x31: {  	[smem:$0x3FB0] =	sst s10  }
0x32: {  	s10 =	sld [smem:$0x3FAE];
	_ =	sdelay $0x3  }
0x33: {  	p0 =	seq.s32 s10, $0x1;
	s10 =	sld [smem:$0x3FB0];
	_ =	sdelay $0x3  }
0x34: {  	[smem:$0x3FB0] =	sst s10  }
0x35: {  	s10 =	sld [smem:$0x3FAF];
	_ =	sdelay $0x3  }
0x36: {  	p1 =	seq.s32 s10, $0x1;
	s10 =	sld [smem:$0x3FB0];
	_ =	sdelay $0x3  }
0x37: {  	[smem:$0x3FB0] =	sst s10  }
0x38: {  	s10 =	sld [smem:$0x3FB1]  }
0x39: {  	_ = 	snop;
	(pc) =	sbr.ind lr, $3  }
0x3a: {  	_ = 	snop  }
0x3b: {  	_ = 	snop  }
0x3c: {  	p2 =	seq.s32 s10, $0x1;
	s10 =	sld [smem:$0x3FB0]  }
0x3d: {  	_ =	shalt  }
0x3e: {  	_ =	shalt  }
0x3f: {  	_ =	shalt  }
0x40: {  	_ =	shalt  }
0x41: {  	_ =	shalt  }
0x42: {  	_ =	shalt  }
0x43: {  	_ =	shalt  }
0x44: {  	_ =	shalt  }
0x45: {  	_ =	shalt  }
0x46: {  	_ =	shalt  }
0x47: {  	_ =	shalt  }
0x48: {  	_ =	shalt  }
0x49: {  	_ =	shalt  }
0x4a: {  	_ =	shalt  }
0x4b: {  	_ =	shalt  }
0x4c: {  	_ =	shalt  }
0x4d: {  	_ =	shalt  }
0x4e: {  	_ =	shalt  }
0x4f: {  	_ =	shalt  }
0x50: {  	_ =	shalt  }
0x51: {  	_ =	shalt  }
0x52: {  	_ =	shalt  }
0x53: {  	_ =	shalt  }
0x54: {  	_ =	shalt  }
0x55: {  	_ =	shalt  }
0x56: {  	_ =	shalt  }
0x57: {  	_ =	shalt  }
0x58: {  	_ =	shalt  }
0x59: {  	_ =	shalt  }
0x5a: {  	_ =	shalt  }
0x5b: {  	_ =	shalt  }
0x5c: {  	_ =	shalt  }
0x5d: {  	_ =	shalt  }
0x5e: {  	_ =	shalt  }
0x5f: {  	_ =	shalt  }
0x60: {  	_ =	shalt  }
0x61: {  	_ =	shalt  }
0x62: {  	_ =	shalt  }
0x63: {  	_ =	shalt  }
0x64: {  	_ =	shalt  }
0x65: {  	_ =	shalt  }
0x66: {  	_ =	shalt  }
0x67: {  	_ =	shalt  }
0x68: {  	_ =	shalt  }
0x69: {  	_ =	shalt  }
0x6a: {  	_ =	shalt  }
0x6b: {  	_ =	shalt  }
0x6c: {  	_ =	shalt  }
0x6d: {  	_ =	shalt  }
0x6e: {  	_ =	shalt  }
0x6f: {  	_ =	shalt  }
0x70: {  	_ =	shalt  }
0x71: {  	_ =	shalt  }
0x72: {  	_ =	shalt  }
0x73: {  	_ =	shalt  }
0x74: {  	_ =	shalt  }
0x75: {  	_ =	shalt  }
0x76: {  	_ =	shalt  }
0x77: {  	_ =	shalt  }
0x78: {  	_ =	shalt  }
0x79: {  	_ =	shalt  }
0x7a: {  	_ =	shalt  }
0x7b: {  	_ =	shalt  }
0x7c: {  	_ =	shalt  }
0x7d: {  	_ =	shalt  }
0x7e: {  	_ =	shalt  }
0x7f: {  	_ =	shalt  }
0x80: {  	_ =	shalt  }
0x81: {  	_ =	shalt  }
0x82: {  	_ =	shalt  }
0x83: {  	_ =	shalt  }
0x84: {  	_ =	shalt  }
0x85: {  	_ =	shalt  }
0x86: {  	_ =	shalt  }
0x87: {  	_ =	shalt  }
.Lfunc_end0:
.L_simem_size_0:
called_computation_lowered:
.L_overlay_start_0:
0x88: {  	s2 =	sld [smem:$0x3FD9]  }
0x89: {  	s3 =	sld [smem:$0x3FFE];
	_ =	sdelay $0x1  }
0x8a: {  	s1 =	srdreg.scid  }
0x8b: {  	s0 =	sand.u32 $0x1, s1  }
0x8c: {  	s14 =	sshll.u32 s0, $0xA;
	s2 =	sadd.s32 s3, s2  }
0x8d: {  	s2 =	sadd.s32 s2, s14  }
0x8e: {  	[smem:$0x3FBC] =	sst s2  }
0x8f: {  	_ = 	snop  }
0x90: {  	s2 =	sld [smem:$0x3FD0]  }
0x91: {  	s15 =	sld [smem:$0x3FC2]  }
0x92: {  	s4 =	sld [smem:$0x3FC1]  }
0x93: {  	s6 =	simm.s32 $0xA;
	s7 =	simm.s32 $0x10;
	s5 =	sld [smem:$0x3FC0]  }
0x94: {  	[smem:s7], [sflag:s6] =	dma.local [hbm:s2], $0x1  }
0x95: {  	_ =	swait.eq [sflag:s6], $0x1  }
0x96: {  	s16 =	sld [smem:$0x10]  }
0x97: {  	s17 =	sld [smem:$0x15];
	[sflag:s6] =	ssyncset.done $0x0  }
0x98: {  	s8 =	sld [smem:$0x16];
	[sflag:s6] =	ssyncadd.s32 $0xFFFFFFFF  }
0x99: {  	s18 =	sld [smem:$0x17];
	(tm) =	ssettm $0x1  }
0x9a: {  	s9 =	sld [smem:$0x3FFB];
	_ =	sdelay $0x3  }
0x9b: {  	_ =	strace s9  }
0x9c: {  	s9 =	sld [smem:$0x3FFC];
	_ =	sdelay $0x3  }
0x9d: {  	_ =	strace s9  }
0x9e: {  	s9 =	sld [smem:$0x3FFD];
	_ =	sdelay $0x3  }
0x9f: {  	_ =	strace s9  }
0xa0: {  	_ =	strace $0x8FFFFFFF  }
0xa1: {  	s19 =	sld [smem:$0x3FDB];
	_ =	sdelay $0x1  }
0xa2: {  	s10 =	simm.s32 $_scs_section_size  }
0xa3: {  	s11 =	simm.s32 $_size__tile_overlayer_lowered;
	s12 =	simm.s32 $_tile_overlayer_lowered  }
0xa4: {  	s22 =	simm.s32 $0x1BFF;
	s21 =	sshll.u32 s12, $0x1;
	s9 =	sadd.s32 s10, s19  }
0xa5: {  	s13 =	simm.s32 $0x0;
	s20 =	sshll.u32 s11, $0x1;
	s11 =	sadd.s32 s21, s9  }
0xa6: {  	[timem:s13], [sflag:s22] =	dma.local [hbm:s11], s20  }
0xa7: {  	_ =	swait.ge [sflag:s22], s20  }
0xa8: {  	s10 =	ssub.s32 $0x0, s20;
	[sflag:s22] =	ssyncset.done $0x0  }
0xa9: {  	[sflag:s22] =	ssyncadd.s32 s10;
	_ =	sdelay $0x1  }
0xaa: {  	s23 =	simm.s32 $0x1B8B  }
0xab: {  	_ =	swait.ge [sflag:s23], $0x1  }
0xac: {  	[sflag:s23] =	ssyncset.done $0x0  }
0xad: {  	s25 =	simm.s32 $0x1B8E;
	s24 =	sld [smem:$0x3FFE];
	[sflag:s23] =	ssyncadd.s32 $0xFFFFFFFF  }
0xae: {  	s26 =	simm.s32 $execute0_lowered;
	[smem:$0x3FD2] =	sst s25  }
0xaf: {  	s11 =	sshll.u32 s26, $0x1;
	_ =	strace $0x80000046;
	[dreg:$0x1] =	wrdreg $0xFFFFFFFF  }
0xb0: {  	s28 =	simm.s32 $_size_execute0_lowered;
	s9 =	sadd.s32 s9, s11;
	[dreg:$0x0] =	wrdreg $0x0  }
0xb1: {  	s11 =	sshll.u32 s28, $0x1;
	[dreg:$0x2] =	wrdreg s9  }
0xb2: {  	[dreg:$0x3] =	wrdreg s11  }
0xb3: {  	[dreg:$0x4] =	wrdreg $0xC0  }
0xb4: {  	_ =	task [dreg:s13], $0x5FFFF  }
0xb5: {  	[dreg:$0x1] =	wrdreg $0xFFFFFFFF  }
0xb6: {  	[dreg:$0x0] =	wrdreg $0x60  }
0xb7: {  	[dreg:$0x2] =	wrdreg s15  }
0xb8: {  	[dreg:$0x3] =	wrdreg s4  }
0xb9: {  	[dreg:$0x4] =	wrdreg s5  }
0xba: {  	[dreg:$0x5] =	wrdreg s16  }
0xbb: {  	[dreg:$0x6] =	wrdreg s24  }
0xbc: {  	[dreg:$0x7] =	wrdreg s17  }
0xbd: {  	[dreg:$0x8] =	wrdreg s8  }
0xbe: {  	[dreg:$0x9] =	wrdreg s18  }
0xbf: {  	[dreg:$0xa] =	wrdreg $0x9  }
0xc0: {  	_ =	task.clear_ibuf [dreg:s13], $0xBFFFF;
	_ =	strace $0x90000046  }
0xc1: {  	s29 =	simm.s32 $0x9;
	_ =	strace $0x80000048  }
0xc2: {  	_ =	swait.ge [sflag:s29], $0x1  }
0xc3: {  	[sflag:s29] =	ssyncadd.s32 $0xFFFFFFFF  }
0xc4: {  	_ =	strace $0x90000048  }
0xc5: {  	_ =	sfence  }
0xc6: {  	s30 =	sld [smem:$0x0];
	_ =	sdelay $0x2  }
0xc7: {  	s31 =	sshll.u32 s1, $0xD;
	s1 =	sshrl.u32 s1, $0x2  }
0xc8: {  	s3 =	sand.u32 $0x4000, s31;
	s1 =	sadd.s32 s1, s30  }
0xc9: {  	s0 =	sor.u32 s3, s0;
	s1 =	sshll.u32 s1, $0x11  }
0xca: {  	s0 =	sor.u32 s1, s0  }
0xcb: {  	s0 =	sadd.s32 $0x8F2B, s0  }
0xcc: {  	[sflag:s0] =	ssyncadd.remote.s32 $0x1  }
0xcd: {  	_ =	sfence.sel $0xFFFF  }
0xce: {  	[dreg:$0x0] =	wrdreg $0xFFFFFFFF;
	(pc) =	sbr.abs _section_cstart, $3  }
0xcf: {  	[dreg:$0x1] =	wrdreg $0xFFFFFFFF  }
0xd0: {  	_ =	task.clear_ibuf [dreg:s13], $0x2FFFF;
	_ =	strace $0x9FFFFFFF  }
0xd1: {  	(tm) =	ssettm $0x7FFFFFFF  }
tec
execute0_lowered:
.L_overlay_start_1:
0x0: {  	(tag) =	ssettag $0x1  }
0x1: {  	s0 =	rddreg [dreg:$0x0]  }
0x2: {  	s1 =	rddreg [dreg:$0x1]  }
0x3: {  	s2 =	rddreg [dreg:$0x2]  }
0x4: {  	s6 =	rddreg [dreg:$0x3]  }
0x5: {  	s7 =	rddreg [dreg:$0x4]  }
0x6: {  	s8 =	rddreg [dreg:$0x5]  }
0x7: {  	s9 =	rddreg [dreg:$0x6]  }
0x8: {  	s3 =	rddreg [dreg:$0x7];
	s5 =	srdreg.scid  }
0x9: {  	s4 =	stileid.u32;
	s28 =	simm.s32 $0x6080;
	s29 =	simm.s32 $0x6880  }
0xa: {  	s30 =	simm.s32 $0x7080;
	s10 =	sand.u32 $0x1, s5;
	s5 =	simm.s32 $0x0  }
0xb: {  	s11 =	sshll.u32 s4, $0xA;
	s12 =	sshll.u32 s10, $0x9;
	[smem:$0x7FF] =	sst s5  }
0xc: {  	s31 =	simm.s32 $0x7880;
	s11 =	sor.u32 s12, s11;
	_ =	strace $0x80000047  }
0xd: {  	s12 =	sshrl.u32 s11, $0x3;
	s14 =	sshll.u32 s11, $0x5;
	s15 =	sor.u32 $0x80, s11  }
0xe: {  	s17 =	sor.u32 $0x100, s11;
	s11 =	sor.u32 $0x180, s11;
	s13 =	sadd.s32 s6, s12  }
0xf: {  	s19 =	sadd.s32 s8, s14;
	s16 =	sshrl.u32 s15, $0x3;
	[dreg:$0x9] =	wrdreg s13  }
0x10: {  	s15 =	sshll.u32 s15, $0x5;
	s25 =	sadd.s32 s9, s14;
	[dreg:$0xa] =	wrdreg s19  }
0x11: {  	s20 =	sadd.s32 s6, s16;
	s21 =	sadd.s32 s8, s15;
	[dreg:$0x12] =	wrdreg s25  }
0x12: {  	s13 =	sshrl.u32 s17, $0x3;
	s17 =	sshll.u32 s17, $0x5;
	[dreg:$0xb] =	wrdreg s20  }
0x13: {  	s19 =	sshrl.u32 s11, $0x3;
	s4 =	sadd.s32 s9, s15;
	[dreg:$0xc] =	wrdreg s21  }
0x14: {  	s18 =	sadd.s32 s6, s13;
	s22 =	sadd.s32 s8, s17;
	[dreg:$0x14] =	wrdreg s4  }
0x15: {  	s6 =	sadd.s32 s6, s19;
	s20 =	sadd.s32 $0x2C00, s7;
	[dreg:$0xd] =	wrdreg s18  }
0x16: {  	s21 =	sadd.s32 s9, s17;
	[dreg:$0xe] =	wrdreg s22;
	s18 =	sshll.u32 s11, $0x5  }
0x17: {  	s11 =	sadd.s32 $0x2400, s7;
	[dreg:$0xf] =	wrdreg s6;
	s22 =	ssub.s32 $0x2, s10  }
0x18: {  	[dreg:$0x16] =	wrdreg s21;
	s6 =	sadd.s32 s3, s14;
	s7 =	sadd.s32 s20, s16  }
0x19: {  	s10 =	sadd.s32 s3, s17;
	s14 =	simm.s32 $0x2;
	s23 =	sadd.s32 s8, s18  }
0x1a: {  	s17 =	simm.s32 $0x1080;
	s24 =	sadd.s32 s11, s12;
	[dreg:$0x10] =	wrdreg s23  }
0x1b: {  	s26 =	sadd.s32 s11, s16;
	s8 =	sadd.s32 s11, s13;
	[dreg:$0x11] =	wrdreg s24  }
0x1c: {  	s25 =	sadd.s32 s9, s18;
	s9 =	sadd.s32 s20, s13;
	[dreg:$0x13] =	wrdreg s26  }
0x1d: {  	s16 =	simm.s32 $0x880;
	[dreg:$0x15] =	wrdreg s8;
	s23 =	sadd.s32 s11, s19  }
0x1e: {  	s24 =	sshrl.u32 s22, $0x1;
	[dreg:$0x18] =	wrdreg s25;
	s26 =	sadd.s32 s20, s12  }
0x1f: {  	s8 =	sadd.s32 s3, s15;
	s11 =	sadd.s32 s20, s19;
	s12 =	sadd.s32 s3, s18  }
0x20: {  	s15 =	simm.s32 $0x80;
	s18 =	simm.s32 $0x1880;
	s19 =	simm.s32 $0x2080  }
0x21: {  	s20 =	simm.s32 $0x2880;
	s25 =	simm.s32 $0x5080;
	[dreg:$0x17] =	wrdreg s23  }
0x22: {  	v2 =	vlaneseq.u32;
	s3 =	simm.s32 $0x1;
	s21 =	ssub.s32 s22, s24;
	[dreg:$0x19] =	wrdreg s26  }
0x23: {  	vm0 =	vmmov $0xffff;
	v1 =	vshrl.u32 v2, $0x3;
	s22 =	simm.s32 $0x3880;
	s23 =	simm.s32 $0x4080;
	s24 =	simm.s32 $0x4880  }
0x24: {  	v0 =	vand.u32 $0x7, v2;
	v2 =	vor.u32 $0x8, v2;
	v1 =	vmul.u32 $0x8, v1;
	s26 =	simm.s32 $0x5880;
	s13 =	smax.u32 s21, $0x1;
	s21 =	simm.s32 $0x3080  }
.LBB2_1:
0x25: {  	s4 =	rddreg [dreg:$0x9]  }
0x26: {  	[tilespmem:s5], [sflag:$0x2] =	stream.linear.gather [hbm4b:s4+s5], $0x80, $0x38;
	[tilespmem:$0x8080] =	vst v63  }
0x27: {  	_ =	swait.ge [sflag:s14], $0x80  }
0x28: {  	[sflag:s14] =	ssyncset.done $0x0  }
0x29: {  	[sflag:s14] =	ssyncadd.s32 $0xFFFFFF80  }
0x2a: {  	v3 =	vld [tilespmem:$0x0];
	_ =	sdelay $0x4  }
0x2b: {  	v4 =	vshll.u32 v3, $0x1  }
0x2c: {  	v3 =	vand.u32 $0x7, v3;
	v4 =	vand.u32 $0xFFFFFFF0, v4  }
0x2d: {  	v3 =	vor.u32 v3, v4  }
0x2e: {  	v4 =	vperm.xlane v3, v0;
	_ =	sdelay $0x1  }
0x2f: {  	v3 =	vperm.xlane v3, v2;
	v4 =	vadd.s32 v1, v4;
	_ =	sdelay $0x1  }
0x30: {  	v3 =	vadd.s32 v1, v3;
	_ =	sdelay $0x2  }
0x31: {  	[tilespmem:s15], [sflag:$0x1] =	stream.indirect_vreg.gather [hbm4b:s0+s5], $0x80, v4, vm0, $0xb8;
	[tilespmem:$0x8080] =	vst v63  }
0x32: {  	_ = 	snop  }
0x33: {  	[tilespmem:s16], [sflag:$0x1] =	stream.indirect_vreg.gather [hbm4b:s0+s5], $0x80, v3, vm0, $0xb8;
	[tilespmem:$0x8080] =	vst v63  }
0x34: {  	v3 =	vld [tilespmem:$0x10];
	_ =	sdelay $0x4  }
0x35: {  	v25 =	vshll.u32 v3, $0x1  }
0x36: {  	v3 =	vand.u32 $0x7, v3;
	v4 =	vand.u32 $0xFFFFFFF0, v25  }
0x37: {  	v3 =	vor.u32 v3, v4  }
0x38: {  	v4 =	vperm.xlane v3, v0;
	_ =	sdelay $0x1  }
0x39: {  	v3 =	vperm.xlane v3, v2;
	v4 =	vadd.s32 v1, v4;
	_ =	sdelay $0x1  }
0x3a: {  	v3 =	vadd.s32 v1, v3;
	_ =	sdelay $0x2  }
0x3b: {  	[tilespmem:s17], [sflag:$0x1] =	stream.indirect_vreg.gather [hbm4b:s0+s5], $0x80, v4, vm0, $0xb8;
	[tilespmem:$0x8080] =	vst v63  }
0x3c: {  	_ = 	snop  }
0x3d: {  	[tilespmem:s18], [sflag:$0x1] =	stream.indirect_vreg.gather [hbm4b:s0+s5], $0x80, v3, vm0, $0xb8;
	[tilespmem:$0x8080] =	vst v63  }
0x3e: {  	v3 =	vld [tilespmem:$0x20];
	_ =	sdelay $0x4  }
0x3f: {  	v26 =	vshll.u32 v3, $0x1  }
0x40: {  	v3 =	vand.u32 $0x7, v3;
	v4 =	vand.u32 $0xFFFFFFF0, v26  }
0x41: {  	v3 =	vor.u32 v3, v4  }
0x42: {  	v4 =	vperm.xlane v3, v0;
	_ =	sdelay $0x1  }
0x43: {  	v3 =	vperm.xlane v3, v2;
	v4 =	vadd.s32 v1, v4;
	_ =	sdelay $0x1  }
0x44: {  	v3 =	vadd.s32 v1, v3;
	_ =	sdelay $0x2  }
0x45: {  	[tilespmem:s19], [sflag:$0x1] =	stream.indirect_vreg.gather [hbm4b:s0+s5], $0x80, v4, vm0, $0xb8;
	[tilespmem:$0x8080] =	vst v63  }
0x46: {  	_ = 	snop  }
0x47: {  	[tilespmem:s20], [sflag:$0x1] =	stream.indirect_vreg.gather [hbm4b:s0+s5], $0x80, v3, vm0, $0xb8;
	[tilespmem:$0x8080] =	vst v63  }
0x48: {  	v3 =	vld [tilespmem:$0x30];
	_ =	sdelay $0x4  }
0x49: {  	v27 =	vshll.u32 v3, $0x1  }
0x4a: {  	v3 =	vand.u32 $0x7, v3;
	v4 =	vand.u32 $0xFFFFFFF0, v27  }
0x4b: {  	v3 =	vor.u32 v3, v4  }
0x4c: {  	v4 =	vperm.xlane v3, v0;
	_ =	sdelay $0x1  }
0x4d: {  	v3 =	vperm.xlane v3, v2;
	v4 =	vadd.s32 v1, v4;
	_ =	sdelay $0x1  }
0x4e: {  	v3 =	vadd.s32 v1, v3;
	_ =	sdelay $0x2  }
0x4f: {  	[tilespmem:s21], [sflag:$0x1] =	stream.indirect_vreg.gather [hbm4b:s0+s5], $0x80, v4, vm0, $0xb8;
	[tilespmem:$0x8080] =	vst v63  }
0x50: {  	_ = 	snop  }
0x51: {  	[tilespmem:s22], [sflag:$0x1] =	stream.indirect_vreg.gather [hbm4b:s0+s5], $0x80, v3, vm0, $0xb8;
	[tilespmem:$0x8080] =	vst v63  }
0x52: {  	v3 =	vld [tilespmem:$0x40];
	_ =	sdelay $0x4  }
0x53: {  	v28 =	vshll.u32 v3, $0x1  }
0x54: {  	v3 =	vand.u32 $0x7, v3;
	v4 =	vand.u32 $0xFFFFFFF0, v28  }
0x55: {  	v3 =	vor.u32 v3, v4  }
0x56: {  	v4 =	vperm.xlane v3, v0;
	_ =	sdelay $0x1  }
0x57: {  	v3 =	vperm.xlane v3, v2;
	v4 =	vadd.s32 v1, v4;
	_ =	sdelay $0x1  }
0x58: {  	v3 =	vadd.s32 v1, v3;
	_ =	sdelay $0x2  }
0x59: {  	[tilespmem:s23], [sflag:$0x1] =	stream.indirect_vreg.gather [hbm4b:s0+s5], $0x80, v4, vm0, $0xb8;
	[tilespmem:$0x8080] =	vst v63  }
0x5a: {  	_ = 	snop  }
0x5b: {  	[tilespmem:s24], [sflag:$0x1] =	stream.indirect_vreg.gather [hbm4b:s0+s5], $0x80, v3, vm0, $0xb8;
	[tilespmem:$0x8080] =	vst v63  }
0x5c: {  	v3 =	vld [tilespmem:$0x50];
	_ =	sdelay $0x4  }
0x5d: {  	v29 =	vshll.u32 v3, $0x1  }
0x5e: {  	v3 =	vand.u32 $0x7, v3;
	v4 =	vand.u32 $0xFFFFFFF0, v29  }
0x5f: {  	v3 =	vor.u32 v3, v4  }
0x60: {  	v4 =	vperm.xlane v3, v0;
	_ =	sdelay $0x1  }
0x61: {  	v3 =	vperm.xlane v3, v2;
	v4 =	vadd.s32 v1, v4;
	_ =	sdelay $0x1  }
0x62: {  	v3 =	vadd.s32 v1, v3;
	_ =	sdelay $0x2  }
0x63: {  	[tilespmem:s25], [sflag:$0x1] =	stream.indirect_vreg.gather [hbm4b:s0+s5], $0x80, v4, vm0, $0xb8;
	[tilespmem:$0x8080] =	vst v63  }
0x64: {  	_ = 	snop  }
0x65: {  	[tilespmem:s26], [sflag:$0x1] =	stream.indirect_vreg.gather [hbm4b:s0+s5], $0x80, v3, vm0, $0xb8;
	[tilespmem:$0x8080] =	vst v63  }
0x66: {  	v3 =	vld [tilespmem:$0x60];
	_ =	sdelay $0x4  }
0x67: {  	v30 =	vshll.u32 v3, $0x1  }
0x68: {  	v3 =	vand.u32 $0x7, v3;
	v4 =	vand.u32 $0xFFFFFFF0, v30  }
0x69: {  	v3 =	vor.u32 v3, v4  }
0x6a: {  	v4 =	vperm.xlane v3, v0;
	_ =	sdelay $0x1  }
0x6b: {  	v3 =	vperm.xlane v3, v2;
	v4 =	vadd.s32 v1, v4;
	_ =	sdelay $0x1  }
0x6c: {  	v3 =	vadd.s32 v1, v3;
	_ =	sdelay $0x2  }
0x6d: {  	[tilespmem:s28], [sflag:$0x1] =	stream.indirect_vreg.gather [hbm4b:s0+s5], $0x80, v4, vm0, $0xb8;
	[tilespmem:$0x8080] =	vst v63  }
0x6e: {  	_ = 	snop  }
0x6f: {  	[tilespmem:s29], [sflag:$0x1] =	stream.indirect_vreg.gather [hbm4b:s0+s5], $0x80, v3, vm0, $0xb8;
	[tilespmem:$0x8080] =	vst v63  }
0x70: {  	v3 =	vld [tilespmem:$0x70];
	_ =	sdelay $0x4  }
0x71: {  	v31 =	vshll.u32 v3, $0x1  }
0x72: {  	v3 =	vand.u32 $0x7, v3;
	v4 =	vand.u32 $0xFFFFFFF0, v31  }
0x73: {  	v3 =	vor.u32 v3, v4  }
0x74: {  	v4 =	vperm.xlane v3, v0;
	_ =	sdelay $0x1  }
0x75: {  	v3 =	vperm.xlane v3, v2;
	v4 =	vadd.s32 v1, v4;
	_ =	sdelay $0x1  }
0x76: {  	v3 =	vadd.s32 v1, v3;
	_ =	sdelay $0x2  }
0x77: {  	[tilespmem:s30], [sflag:$0x1] =	stream.indirect_vreg.gather [hbm4b:s0+s5], $0x80, v4, vm0, $0xb8;
	[tilespmem:$0x8080] =	vst v63  }
0x78: {  	_ = 	snop  }
0x79: {  	[tilespmem:s31], [sflag:$0x1] =	stream.indirect_vreg.gather [hbm4b:s0+s5], $0x80, v3, vm0, $0xb8;
	[tilespmem:$0x8080] =	vst v63  }
0x7a: {  	_ =	swait.ge [sflag:s3], $0x8000  }
0x7b: {  	[sflag:s3] =	ssyncset.done $0x0  }
0x7c: {  	s4 =	rddreg [dreg:$0xa];
	[sflag:s3] =	ssyncadd.s32 $0xFFFF8000  }
0x7d: {  	[hbm4b:s4+s5] =	stream.linear.scatter [tilespmem:s15], [sflag:$0x2], $0x8000, $0x38;
	[tilespmem:$0x8080] =	vst v63  }
0x7e: {  	_ =	swait.ge [sflag:s14], $0x8000  }
0x7f: {  	[sflag:s14] =	ssyncset.done $0x0  }
0x80: {  	s4 =	rddreg [dreg:$0xb];
	[sflag:s14] =	ssyncadd.s32 $0xFFFF8000  }
0x81: {  	[tilespmem:s5], [sflag:$0x2] =	stream.linear.gather [hbm4b:s4+s5], $0x80, $0x38;
	[tilespmem:$0x8080] =	vst v63  }
0x82: {  	_ =	swait.ge [sflag:s14], $0x80  }
0x83: {  	[sflag:s14] =	ssyncset.done $0x0  }
0x84: {  	[sflag:s14] =	ssyncadd.s32 $0xFFFFFF80  }
0x85: {  	v3 =	vld [tilespmem:$0x0];
	_ =	sdelay $0x4  }
0x86: {  	v32 =	vshll.u32 v3, $0x1  }
0x87: {  	v3 =	vand.u32 $0x7, v3;
	v4 =	vand.u32 $0xFFFFFFF0, v32  }
0x88: {  	v3 =	vor.u32 v3, v4  }
0x89: {  	v4 =	vperm.xlane v3, v0;
	_ =	sdelay $0x1  }
0x8a: {  	v3 =	vperm.xlane v3, v2;
	v4 =	vadd.s32 v1, v4;
	_ =	sdelay $0x1  }
0x8b: {  	v3 =	vadd.s32 v1, v3;
	_ =	sdelay $0x2  }
0x8c: {  	[tilespmem:s15], [sflag:$0x1] =	stream.indirect_vreg.gather [hbm4b:s0+s5], $0x80, v4, vm0, $0xb8;
	[tilespmem:$0x8080] =	vst v63  }
0x8d: {  	_ = 	snop  }
0x8e: {  	[tilespmem:s16], [sflag:$0x1] =	stream.indirect_vreg.gather [hbm4b:s0+s5], $0x80, v3, vm0, $0xb8;
	[tilespmem:$0x8080] =	vst v63  }
0x8f: {  	v3 =	vld [tilespmem:$0x10];
	_ =	sdelay $0x4  }
0x90: {  	v33 =	vshll.u32 v3, $0x1  }
0x91: {  	v3 =	vand.u32 $0x7, v3;
	v4 =	vand.u32 $0xFFFFFFF0, v33  }
0x92: {  	v3 =	vor.u32 v3, v4  }
0x93: {  	v4 =	vperm.xlane v3, v0;
	_ =	sdelay $0x1  }
0x94: {  	v3 =	vperm.xlane v3, v2;
	v4 =	vadd.s32 v1, v4;
	_ =	sdelay $0x1  }
0x95: {  	v3 =	vadd.s32 v1, v3;
	_ =	sdelay $0x2  }
0x96: {  	[tilespmem:s17], [sflag:$0x1] =	stream.indirect_vreg.gather [hbm4b:s0+s5], $0x80, v4, vm0, $0xb8;
	[tilespmem:$0x8080] =	vst v63  }
0x97: {  	_ = 	snop  }
0x98: {  	[tilespmem:s18], [sflag:$0x1] =	stream.indirect_vreg.gather [hbm4b:s0+s5], $0x80, v3, vm0, $0xb8;
	[tilespmem:$0x8080] =	vst v63  }
0x99: {  	v3 =	vld [tilespmem:$0x20];
	_ =	sdelay $0x4  }
0x9a: {  	v34 =	vshll.u32 v3, $0x1  }
0x9b: {  	v3 =	vand.u32 $0x7, v3;
	v4 =	vand.u32 $0xFFFFFFF0, v34  }
0x9c: {  	v3 =	vor.u32 v3, v4  }
0x9d: {  	v4 =	vperm.xlane v3, v0;
	_ =	sdelay $0x1  }
0x9e: {  	v3 =	vperm.xlane v3, v2;
	v4 =	vadd.s32 v1, v4;
	_ =	sdelay $0x1  }
0x9f: {  	v3 =	vadd.s32 v1, v3;
	_ =	sdelay $0x2  }
0xa0: {  	[tilespmem:s19], [sflag:$0x1] =	stream.indirect_vreg.gather [hbm4b:s0+s5], $0x80, v4, vm0, $0xb8;
	[tilespmem:$0x8080] =	vst v63  }
0xa1: {  	_ = 	snop  }
0xa2: {  	[tilespmem:s20], [sflag:$0x1] =	stream.indirect_vreg.gather [hbm4b:s0+s5], $0x80, v3, vm0, $0xb8;
	[tilespmem:$0x8080] =	vst v63  }
0xa3: {  	v3 =	vld [tilespmem:$0x30];
	_ =	sdelay $0x4  }
0xa4: {  	v35 =	vshll.u32 v3, $0x1  }
0xa5: {  	v3 =	vand.u32 $0x7, v3;
	v4 =	vand.u32 $0xFFFFFFF0, v35  }
0xa6: {  	v3 =	vor.u32 v3, v4  }
0xa7: {  	v4 =	vperm.xlane v3, v0;
	_ =	sdelay $0x1  }
0xa8: {  	v3 =	vperm.xlane v3, v2;
	v4 =	vadd.s32 v1, v4;
	_ =	sdelay $0x1  }
0xa9: {  	v3 =	vadd.s32 v1, v3;
	_ =	sdelay $0x2  }
0xaa: {  	[tilespmem:s21], [sflag:$0x1] =	stream.indirect_vreg.gather [hbm4b:s0+s5], $0x80, v4, vm0, $0xb8;
	[tilespmem:$0x8080] =	vst v63  }
0xab: {  	_ = 	snop  }
0xac: {  	[tilespmem:s22], [sflag:$0x1] =	stream.indirect_vreg.gather [hbm4b:s0+s5], $0x80, v3, vm0, $0xb8;
	[tilespmem:$0x8080] =	vst v63  }
0xad: {  	v3 =	vld [tilespmem:$0x40];
	_ =	sdelay $0x4  }
0xae: {  	v36 =	vshll.u32 v3, $0x1  }
0xaf: {  	v3 =	vand.u32 $0x7, v3;
	v4 =	vand.u32 $0xFFFFFFF0, v36  }
0xb0: {  	v3 =	vor.u32 v3, v4  }
0xb1: {  	v4 =	vperm.xlane v3, v0;
	_ =	sdelay $0x1  }
0xb2: {  	v3 =	vperm.xlane v3, v2;
	v4 =	vadd.s32 v1, v4;
	_ =	sdelay $0x1  }
0xb3: {  	v3 =	vadd.s32 v1, v3;
	_ =	sdelay $0x2  }
0xb4: {  	[tilespmem:s23], [sflag:$0x1] =	stream.indirect_vreg.gather [hbm4b:s0+s5], $0x80, v4, vm0, $0xb8;
	[tilespmem:$0x8080] =	vst v63  }
0xb5: {  	_ = 	snop  }
0xb6: {  	[tilespmem:s24], [sflag:$0x1] =	stream.indirect_vreg.gather [hbm4b:s0+s5], $0x80, v3, vm0, $0xb8;
	[tilespmem:$0x8080] =	vst v63  }
0xb7: {  	v3 =	vld [tilespmem:$0x50];
	_ =	sdelay $0x4  }
0xb8: {  	v37 =	vshll.u32 v3, $0x1  }
0xb9: {  	v3 =	vand.u32 $0x7, v3;
	v4 =	vand.u32 $0xFFFFFFF0, v37  }
0xba: {  	v3 =	vor.u32 v3, v4  }
0xbb: {  	v4 =	vperm.xlane v3, v0;
	_ =	sdelay $0x1  }
0xbc: {  	v3 =	vperm.xlane v3, v2;
	v4 =	vadd.s32 v1, v4;
	_ =	sdelay $0x1  }
0xbd: {  	v3 =	vadd.s32 v1, v3;
	_ =	sdelay $0x2  }
0xbe: {  	[tilespmem:s25], [sflag:$0x1] =	stream.indirect_vreg.gather [hbm4b:s0+s5], $0x80, v4, vm0, $0xb8;
	[tilespmem:$0x8080] =	vst v63  }
0xbf: {  	_ = 	snop  }
0xc0: {  	[tilespmem:s26], [sflag:$0x1] =	stream.indirect_vreg.gather [hbm4b:s0+s5], $0x80, v3, vm0, $0xb8;
	[tilespmem:$0x8080] =	vst v63  }
0xc1: {  	v3 =	vld [tilespmem:$0x60];
	_ =	sdelay $0x4  }
0xc2: {  	v38 =	vshll.u32 v3, $0x1  }
0xc3: {  	v3 =	vand.u32 $0x7, v3;
	v4 =	vand.u32 $0xFFFFFFF0, v38  }
0xc4: {  	v3 =	vor.u32 v3, v4  }
0xc5: {  	v4 =	vperm.xlane v3, v0;
	_ =	sdelay $0x1  }
0xc6: {  	v3 =	vperm.xlane v3, v2;
	v4 =	vadd.s32 v1, v4;
	_ =	sdelay $0x1  }
0xc7: {  	v3 =	vadd.s32 v1, v3;
	_ =	sdelay $0x2  }
0xc8: {  	[tilespmem:s28], [sflag:$0x1] =	stream.indirect_vreg.gather [hbm4b:s0+s5], $0x80, v4, vm0, $0xb8;
	[tilespmem:$0x8080] =	vst v63  }
0xc9: {  	_ = 	snop  }
0xca: {  	[tilespmem:s29], [sflag:$0x1] =	stream.indirect_vreg.gather [hbm4b:s0+s5], $0x80, v3, vm0, $0xb8;
	[tilespmem:$0x8080] =	vst v63  }
0xcb: {  	v3 =	vld [tilespmem:$0x70];
	_ =	sdelay $0x4  }
0xcc: {  	v39 =	vshll.u32 v3, $0x1  }
0xcd: {  	v3 =	vand.u32 $0x7, v3;
	v4 =	vand.u32 $0xFFFFFFF0, v39  }
0xce: {  	v3 =	vor.u32 v3, v4  }
0xcf: {  	v4 =	vperm.xlane v3, v0;
	_ =	sdelay $0x1  }
0xd0: {  	v3 =	vperm.xlane v3, v2;
	v4 =	vadd.s32 v1, v4;
	_ =	sdelay $0x1  }
0xd1: {  	v3 =	vadd.s32 v1, v3;
	_ =	sdelay $0x2  }
0xd2: {  	[tilespmem:s30], [sflag:$0x1] =	stream.indirect_vreg.gather [hbm4b:s0+s5], $0x80, v4, vm0, $0xb8;
	[tilespmem:$0x8080] =	vst v63  }
0xd3: {  	_ = 	snop  }
0xd4: {  	[tilespmem:s31], [sflag:$0x1] =	stream.indirect_vreg.gather [hbm4b:s0+s5], $0x80, v3, vm0, $0xb8;
	[tilespmem:$0x8080] =	vst v63  }
0xd5: {  	_ =	swait.ge [sflag:s3], $0x8000  }
0xd6: {  	[sflag:s3] =	ssyncset.done $0x0  }
0xd7: {  	s4 =	rddreg [dreg:$0xc];
	[sflag:s3] =	ssyncadd.s32 $0xFFFF8000  }
0xd8: {  	[hbm4b:s4+s5] =	stream.linear.scatter [tilespmem:s15], [sflag:$0x2], $0x8000, $0x38;
	[tilespmem:$0x8080] =	vst v63  }
0xd9: {  	_ =	swait.ge [sflag:s14], $0x8000  }
0xda: {  	[sflag:s14] =	ssyncset.done $0x0  }
0xdb: {  	s4 =	rddreg [dreg:$0xd];
	[sflag:s14] =	ssyncadd.s32 $0xFFFF8000  }
0xdc: {  	[tilespmem:s5], [sflag:$0x2] =	stream.linear.gather [hbm4b:s4+s5], $0x80, $0x38;
	[tilespmem:$0x8080] =	vst v63  }
0xdd: {  	_ =	swait.ge [sflag:s14], $0x80  }
0xde: {  	[sflag:s14] =	ssyncset.done $0x0  }
0xdf: {  	[sflag:s14] =	ssyncadd.s32 $0xFFFFFF80  }
0xe0: {  	v3 =	vld [tilespmem:$0x0];
	_ =	sdelay $0x4  }
0xe1: {  	v40 =	vshll.u32 v3, $0x1  }
0xe2: {  	v3 =	vand.u32 $0x7, v3;
	v4 =	vand.u32 $0xFFFFFFF0, v40  }
0xe3: {  	v3 =	vor.u32 v3, v4  }
0xe4: {  	v4 =	vperm.xlane v3, v0;
	_ =	sdelay $0x1  }
0xe5: {  	v3 =	vperm.xlane v3, v2;
	v4 =	vadd.s32 v1, v4;
	_ =	sdelay $0x1  }
0xe6: {  	v3 =	vadd.s32 v1, v3;
	_ =	sdelay $0x2  }
0xe7: {  	[tilespmem:s15], [sflag:$0x1] =	stream.indirect_vreg.gather [hbm4b:s0+s5], $0x80, v4, vm0, $0xb8;
	[tilespmem:$0x8080] =	vst v63  }
0xe8: {  	_ = 	snop  }
0xe9: {  	[tilespmem:s16], [sflag:$0x1] =	stream.indirect_vreg.gather [hbm4b:s0+s5], $0x80, v3, vm0, $0xb8;
	[tilespmem:$0x8080] =	vst v63  }
0xea: {  	v3 =	vld [tilespmem:$0x10];
	_ =	sdelay $0x4  }
0xeb: {  	v41 =	vshll.u32 v3, $0x1  }
0xec: {  	v3 =	vand.u32 $0x7, v3;
	v4 =	vand.u32 $0xFFFFFFF0, v41  }
0xed: {  	v3 =	vor.u32 v3, v4  }
0xee: {  	v4 =	vperm.xlane v3, v0;
	_ =	sdelay $0x1  }
0xef: {  	v3 =	vperm.xlane v3, v2;
	v4 =	vadd.s32 v1, v4;
	_ =	sdelay $0x1  }
0xf0: {  	v3 =	vadd.s32 v1, v3;
	_ =	sdelay $0x2  }
0xf1: {  	[tilespmem:s17], [sflag:$0x1] =	stream.indirect_vreg.gather [hbm4b:s0+s5], $0x80, v4, vm0, $0xb8;
	[tilespmem:$0x8080] =	vst v63  }
0xf2: {  	_ = 	snop  }
0xf3: {  	[tilespmem:s18], [sflag:$0x1] =	stream.indirect_vreg.gather [hbm4b:s0+s5], $0x80, v3, vm0, $0xb8;
	[tilespmem:$0x8080] =	vst v63  }
0xf4: {  	v3 =	vld [tilespmem:$0x20];
	_ =	sdelay $0x4  }
0xf5: {  	v42 =	vshll.u32 v3, $0x1  }
0xf6: {  	v3 =	vand.u32 $0x7, v3;
	v4 =	vand.u32 $0xFFFFFFF0, v42  }
0xf7: {  	v3 =	vor.u32 v3, v4  }
0xf8: {  	v4 =	vperm.xlane v3, v0;
	_ =	sdelay $0x1  }
0xf9: {  	v3 =	vperm.xlane v3, v2;
	v4 =	vadd.s32 v1, v4;
	_ =	sdelay $0x1  }
0xfa: {  	v3 =	vadd.s32 v1, v3;
	_ =	sdelay $0x2  }
0xfb: {  	[tilespmem:s19], [sflag:$0x1] =	stream.indirect_vreg.gather [hbm4b:s0+s5], $0x80, v4, vm0, $0xb8;
	[tilespmem:$0x8080] =	vst v63  }
0xfc: {  	_ = 	snop  }
0xfd: {  	[tilespmem:s20], [sflag:$0x1] =	stream.indirect_vreg.gather [hbm4b:s0+s5], $0x80, v3, vm0, $0xb8;
	[tilespmem:$0x8080] =	vst v63  }
0xfe: {  	v3 =	vld [tilespmem:$0x30];
	_ =	sdelay $0x4  }
0xff: {  	v43 =	vshll.u32 v3, $0x1  }
0x100: {  	v3 =	vand.u32 $0x7, v3;
	v4 =	vand.u32 $0xFFFFFFF0, v43  }
0x101: {  	v3 =	vor.u32 v3, v4  }
0x102: {  	v4 =	vperm.xlane v3, v0;
	_ =	sdelay $0x1  }
0x103: {  	v3 =	vperm.xlane v3, v2;
	v4 =	vadd.s32 v1, v4;
	_ =	sdelay $0x1  }
0x104: {  	v3 =	vadd.s32 v1, v3;
	_ =	sdelay $0x2  }
0x105: {  	[tilespmem:s21], [sflag:$0x1] =	stream.indirect_vreg.gather [hbm4b:s0+s5], $0x80, v4, vm0, $0xb8;
	[tilespmem:$0x8080] =	vst v63  }
0x106: {  	_ = 	snop  }
0x107: {  	[tilespmem:s22], [sflag:$0x1] =	stream.indirect_vreg.gather [hbm4b:s0+s5], $0x80, v3, vm0, $0xb8;
	[tilespmem:$0x8080] =	vst v63  }
0x108: {  	v3 =	vld [tilespmem:$0x40];
	_ =	sdelay $0x4  }
0x109: {  	v44 =	vshll.u32 v3, $0x1  }
0x10a: {  	v3 =	vand.u32 $0x7, v3;
	v4 =	vand.u32 $0xFFFFFFF0, v44  }
0x10b: {  	v3 =	vor.u32 v3, v4  }
0x10c: {  	v4 =	vperm.xlane v3, v0;
	_ =	sdelay $0x1  }
0x10d: {  	v3 =	vperm.xlane v3, v2;
	v4 =	vadd.s32 v1, v4;
	_ =	sdelay $0x1  }
0x10e: {  	v3 =	vadd.s32 v1, v3;
	_ =	sdelay $0x2  }
0x10f: {  	[tilespmem:s23], [sflag:$0x1] =	stream.indirect_vreg.gather [hbm4b:s0+s5], $0x80, v4, vm0, $0xb8;
	[tilespmem:$0x8080] =	vst v63  }
0x110: {  	_ = 	snop  }
0x111: {  	[tilespmem:s24], [sflag:$0x1] =	stream.indirect_vreg.gather [hbm4b:s0+s5], $0x80, v3, vm0, $0xb8;
	[tilespmem:$0x8080] =	vst v63  }
0x112: {  	v3 =	vld [tilespmem:$0x50];
	_ =	sdelay $0x4  }
0x113: {  	v45 =	vshll.u32 v3, $0x1  }
0x114: {  	v3 =	vand.u32 $0x7, v3;
	v4 =	vand.u32 $0xFFFFFFF0, v45  }
0x115: {  	v3 =	vor.u32 v3, v4  }
0x116: {  	v4 =	vperm.xlane v3, v0;
	_ =	sdelay $0x1  }
0x117: {  	v3 =	vperm.xlane v3, v2;
	v4 =	vadd.s32 v1, v4;
	_ =	sdelay $0x1  }
0x118: {  	v3 =	vadd.s32 v1, v3;
	_ =	sdelay $0x2  }
0x119: {  	[tilespmem:s25], [sflag:$0x1] =	stream.indirect_vreg.gather [hbm4b:s0+s5], $0x80, v4, vm0, $0xb8;
	[tilespmem:$0x8080] =	vst v63  }
0x11a: {  	_ = 	snop  }
0x11b: {  	[tilespmem:s26], [sflag:$0x1] =	stream.indirect_vreg.gather [hbm4b:s0+s5], $0x80, v3, vm0, $0xb8;
	[tilespmem:$0x8080] =	vst v63  }
0x11c: {  	v3 =	vld [tilespmem:$0x60];
	_ =	sdelay $0x4  }
0x11d: {  	v46 =	vshll.u32 v3, $0x1  }
0x11e: {  	v3 =	vand.u32 $0x7, v3;
	v4 =	vand.u32 $0xFFFFFFF0, v46  }
0x11f: {  	v3 =	vor.u32 v3, v4  }
0x120: {  	v4 =	vperm.xlane v3, v0;
	_ =	sdelay $0x1  }
0x121: {  	v3 =	vperm.xlane v3, v2;
	v4 =	vadd.s32 v1, v4;
	_ =	sdelay $0x1  }
0x122: {  	v3 =	vadd.s32 v1, v3;
	_ =	sdelay $0x2  }
0x123: {  	[tilespmem:s28], [sflag:$0x1] =	stream.indirect_vreg.gather [hbm4b:s0+s5], $0x80, v4, vm0, $0xb8;
	[tilespmem:$0x8080] =	vst v63  }
0x124: {  	_ = 	snop  }
0x125: {  	[tilespmem:s29], [sflag:$0x1] =	stream.indirect_vreg.gather [hbm4b:s0+s5], $0x80, v3, vm0, $0xb8;
	[tilespmem:$0x8080] =	vst v63  }
0x126: {  	v3 =	vld [tilespmem:$0x70];
	_ =	sdelay $0x4  }
0x127: {  	v47 =	vshll.u32 v3, $0x1  }
0x128: {  	v3 =	vand.u32 $0x7, v3;
	v4 =	vand.u32 $0xFFFFFFF0, v47  }
0x129: {  	v3 =	vor.u32 v3, v4  }
0x12a: {  	v4 =	vperm.xlane v3, v0;
	_ =	sdelay $0x1  }
0x12b: {  	v3 =	vperm.xlane v3, v2;
	v4 =	vadd.s32 v1, v4;
	_ =	sdelay $0x1  }
0x12c: {  	v3 =	vadd.s32 v1, v3;
	_ =	sdelay $0x2  }
0x12d: {  	[tilespmem:s30], [sflag:$0x1] =	stream.indirect_vreg.gather [hbm4b:s0+s5], $0x80, v4, vm0, $0xb8;
	[tilespmem:$0x8080] =	vst v63  }
0x12e: {  	_ = 	snop  }
0x12f: {  	[tilespmem:s31], [sflag:$0x1] =	stream.indirect_vreg.gather [hbm4b:s0+s5], $0x80, v3, vm0, $0xb8;
	[tilespmem:$0x8080] =	vst v63  }
0x130: {  	_ =	swait.ge [sflag:s3], $0x8000  }
0x131: {  	[sflag:s3] =	ssyncset.done $0x0  }
0x132: {  	s4 =	rddreg [dreg:$0xe];
	[sflag:s3] =	ssyncadd.s32 $0xFFFF8000  }
0x133: {  	[hbm4b:s4+s5] =	stream.linear.scatter [tilespmem:s15], [sflag:$0x2], $0x8000, $0x38;
	[tilespmem:$0x8080] =	vst v63  }
0x134: {  	_ =	swait.ge [sflag:s14], $0x8000  }
0x135: {  	[sflag:s14] =	ssyncset.done $0x0  }
0x136: {  	s4 =	rddreg [dreg:$0xf];
	[sflag:s14] =	ssyncadd.s32 $0xFFFF8000  }
0x137: {  	[tilespmem:s5], [sflag:$0x2] =	stream.linear.gather [hbm4b:s4+s5], $0x80, $0x38;
	[tilespmem:$0x8080] =	vst v63  }
0x138: {  	_ =	swait.ge [sflag:s14], $0x80  }
0x139: {  	[sflag:s14] =	ssyncset.done $0x0  }
0x13a: {  	[sflag:s14] =	ssyncadd.s32 $0xFFFFFF80  }
0x13b: {  	v3 =	vld [tilespmem:$0x0];
	_ =	sdelay $0x4  }
0x13c: {  	v48 =	vshll.u32 v3, $0x1  }
0x13d: {  	v3 =	vand.u32 $0x7, v3;
	v4 =	vand.u32 $0xFFFFFFF0, v48  }
0x13e: {  	v3 =	vor.u32 v3, v4  }
0x13f: {  	v4 =	vperm.xlane v3, v0;
	_ =	sdelay $0x1  }
0x140: {  	v3 =	vperm.xlane v3, v2;
	v4 =	vadd.s32 v1, v4;
	_ =	sdelay $0x1  }
0x141: {  	v3 =	vadd.s32 v1, v3;
	_ =	sdelay $0x2  }
0x142: {  	[tilespmem:s15], [sflag:$0x1] =	stream.indirect_vreg.gather [hbm4b:s0+s5], $0x80, v4, vm0, $0xb8;
	[tilespmem:$0x8080] =	vst v63  }
0x143: {  	_ = 	snop  }
0x144: {  	[tilespmem:s16], [sflag:$0x1] =	stream.indirect_vreg.gather [hbm4b:s0+s5], $0x80, v3, vm0, $0xb8;
	[tilespmem:$0x8080] =	vst v63  }
0x145: {  	v3 =	vld [tilespmem:$0x10];
	_ =	sdelay $0x4  }
0x146: {  	v49 =	vshll.u32 v3, $0x1  }
0x147: {  	v3 =	vand.u32 $0x7, v3;
	v4 =	vand.u32 $0xFFFFFFF0, v49  }
0x148: {  	v3 =	vor.u32 v3, v4  }
0x149: {  	v4 =	vperm.xlane v3, v0;
	_ =	sdelay $0x1  }
0x14a: {  	v3 =	vperm.xlane v3, v2;
	v4 =	vadd.s32 v1, v4;
	_ =	sdelay $0x1  }
0x14b: {  	v3 =	vadd.s32 v1, v3;
	_ =	sdelay $0x2  }
0x14c: {  	[tilespmem:s17], [sflag:$0x1] =	stream.indirect_vreg.gather [hbm4b:s0+s5], $0x80, v4, vm0, $0xb8;
	[tilespmem:$0x8080] =	vst v63  }
0x14d: {  	_ = 	snop  }
0x14e: {  	[tilespmem:s18], [sflag:$0x1] =	stream.indirect_vreg.gather [hbm4b:s0+s5], $0x80, v3, vm0, $0xb8;
	[tilespmem:$0x8080] =	vst v63  }
0x14f: {  	v3 =	vld [tilespmem:$0x20];
	_ =	sdelay $0x4  }
0x150: {  	v50 =	vshll.u32 v3, $0x1  }
0x151: {  	v3 =	vand.u32 $0x7, v3;
	v4 =	vand.u32 $0xFFFFFFF0, v50  }
0x152: {  	v3 =	vor.u32 v3, v4  }
0x153: {  	v4 =	vperm.xlane v3, v0;
	_ =	sdelay $0x1  }
0x154: {  	v3 =	vperm.xlane v3, v2;
	v4 =	vadd.s32 v1, v4;
	_ =	sdelay $0x1  }
0x155: {  	v3 =	vadd.s32 v1, v3;
	_ =	sdelay $0x2  }
0x156: {  	[tilespmem:s19], [sflag:$0x1] =	stream.indirect_vreg.gather [hbm4b:s0+s5], $0x80, v4, vm0, $0xb8;
	[tilespmem:$0x8080] =	vst v63  }
0x157: {  	_ = 	snop  }
0x158: {  	[tilespmem:s20], [sflag:$0x1] =	stream.indirect_vreg.gather [hbm4b:s0+s5], $0x80, v3, vm0, $0xb8;
	[tilespmem:$0x8080] =	vst v63  }
0x159: {  	v3 =	vld [tilespmem:$0x30];
	_ =	sdelay $0x4  }
0x15a: {  	v51 =	vshll.u32 v3, $0x1  }
0x15b: {  	v3 =	vand.u32 $0x7, v3;
	v4 =	vand.u32 $0xFFFFFFF0, v51  }
0x15c: {  	v3 =	vor.u32 v3, v4  }
0x15d: {  	v4 =	vperm.xlane v3, v0;
	_ =	sdelay $0x1  }
0x15e: {  	v3 =	vperm.xlane v3, v2;
	v4 =	vadd.s32 v1, v4;
	_ =	sdelay $0x1  }
0x15f: {  	v3 =	vadd.s32 v1, v3;
	_ =	sdelay $0x2  }
0x160: {  	[tilespmem:s21], [sflag:$0x1] =	stream.indirect_vreg.gather [hbm4b:s0+s5], $0x80, v4, vm0, $0xb8;
	[tilespmem:$0x8080] =	vst v63  }
0x161: {  	_ = 	snop  }
0x162: {  	[tilespmem:s22], [sflag:$0x1] =	stream.indirect_vreg.gather [hbm4b:s0+s5], $0x80, v3, vm0, $0xb8;
	[tilespmem:$0x8080] =	vst v63  }
0x163: {  	v3 =	vld [tilespmem:$0x40];
	_ =	sdelay $0x4  }
0x164: {  	v52 =	vshll.u32 v3, $0x1  }
0x165: {  	v3 =	vand.u32 $0x7, v3;
	v4 =	vand.u32 $0xFFFFFFF0, v52  }
0x166: {  	v3 =	vor.u32 v3, v4  }
0x167: {  	v4 =	vperm.xlane v3, v0;
	_ =	sdelay $0x1  }
0x168: {  	v3 =	vperm.xlane v3, v2;
	v4 =	vadd.s32 v1, v4;
	_ =	sdelay $0x1  }
0x169: {  	v3 =	vadd.s32 v1, v3;
	_ =	sdelay $0x2  }
0x16a: {  	[tilespmem:s23], [sflag:$0x1] =	stream.indirect_vreg.gather [hbm4b:s0+s5], $0x80, v4, vm0, $0xb8;
	[tilespmem:$0x8080] =	vst v63  }
0x16b: {  	_ = 	snop  }
0x16c: {  	[tilespmem:s24], [sflag:$0x1] =	stream.indirect_vreg.gather [hbm4b:s0+s5], $0x80, v3, vm0, $0xb8;
	[tilespmem:$0x8080] =	vst v63  }
0x16d: {  	v3 =	vld [tilespmem:$0x50];
	_ =	sdelay $0x4  }
0x16e: {  	v53 =	vshll.u32 v3, $0x1  }
0x16f: {  	v3 =	vand.u32 $0x7, v3;
	v4 =	vand.u32 $0xFFFFFFF0, v53  }
0x170: {  	v3 =	vor.u32 v3, v4  }
0x171: {  	v4 =	vperm.xlane v3, v0;
	_ =	sdelay $0x1  }
0x172: {  	v3 =	vperm.xlane v3, v2;
	v4 =	vadd.s32 v1, v4;
	_ =	sdelay $0x1  }
0x173: {  	v3 =	vadd.s32 v1, v3;
	_ =	sdelay $0x2  }
0x174: {  	[tilespmem:s25], [sflag:$0x1] =	stream.indirect_vreg.gather [hbm4b:s0+s5], $0x80, v4, vm0, $0xb8;
	[tilespmem:$0x8080] =	vst v63  }
0x175: {  	_ = 	snop  }
0x176: {  	[tilespmem:s26], [sflag:$0x1] =	stream.indirect_vreg.gather [hbm4b:s0+s5], $0x80, v3, vm0, $0xb8;
	[tilespmem:$0x8080] =	vst v63  }
0x177: {  	v3 =	vld [tilespmem:$0x60];
	_ =	sdelay $0x4  }
0x178: {  	v54 =	vshll.u32 v3, $0x1  }
0x179: {  	v3 =	vand.u32 $0x7, v3;
	v4 =	vand.u32 $0xFFFFFFF0, v54  }
0x17a: {  	v3 =	vor.u32 v3, v4  }
0x17b: {  	v4 =	vperm.xlane v3, v0;
	_ =	sdelay $0x1  }
0x17c: {  	v3 =	vperm.xlane v3, v2;
	v4 =	vadd.s32 v1, v4;
	_ =	sdelay $0x1  }
0x17d: {  	v3 =	vadd.s32 v1, v3;
	_ =	sdelay $0x2  }
0x17e: {  	[tilespmem:s28], [sflag:$0x1] =	stream.indirect_vreg.gather [hbm4b:s0+s5], $0x80, v4, vm0, $0xb8;
	[tilespmem:$0x8080] =	vst v63  }
0x17f: {  	_ = 	snop  }
0x180: {  	[tilespmem:s29], [sflag:$0x1] =	stream.indirect_vreg.gather [hbm4b:s0+s5], $0x80, v3, vm0, $0xb8;
	[tilespmem:$0x8080] =	vst v63  }
0x181: {  	v3 =	vld [tilespmem:$0x70];
	_ =	sdelay $0x4  }
0x182: {  	v55 =	vshll.u32 v3, $0x1  }
0x183: {  	v3 =	vand.u32 $0x7, v3;
	v4 =	vand.u32 $0xFFFFFFF0, v55  }
0x184: {  	v3 =	vor.u32 v3, v4  }
0x185: {  	v4 =	vperm.xlane v3, v0;
	_ =	sdelay $0x1  }
0x186: {  	v3 =	vperm.xlane v3, v2;
	v4 =	vadd.s32 v1, v4;
	_ =	sdelay $0x1  }
0x187: {  	v3 =	vadd.s32 v1, v3;
	_ =	sdelay $0x2  }
0x188: {  	[tilespmem:s30], [sflag:$0x1] =	stream.indirect_vreg.gather [hbm4b:s0+s5], $0x80, v4, vm0, $0xb8;
	[tilespmem:$0x8080] =	vst v63  }
0x189: {  	_ = 	snop  }
0x18a: {  	[tilespmem:s31], [sflag:$0x1] =	stream.indirect_vreg.gather [hbm4b:s0+s5], $0x80, v3, vm0, $0xb8;
	[tilespmem:$0x8080] =	vst v63  }
0x18b: {  	_ =	swait.ge [sflag:s3], $0x8000  }
0x18c: {  	[sflag:s3] =	ssyncset.done $0x0  }
0x18d: {  	s4 =	rddreg [dreg:$0x10];
	[sflag:s3] =	ssyncadd.s32 $0xFFFF8000  }
0x18e: {  	[hbm4b:s4+s5] =	stream.linear.scatter [tilespmem:s15], [sflag:$0x2], $0x8000, $0x38;
	[tilespmem:$0x8080] =	vst v63  }
0x18f: {  	_ =	swait.ge [sflag:s14], $0x8000  }
0x190: {  	[sflag:s14] =	ssyncset.done $0x0  }
0x191: {  	s4 =	rddreg [dreg:$0x11];
	[sflag:s14] =	ssyncadd.s32 $0xFFFF8000  }
0x192: {  	[tilespmem:s5], [sflag:$0x2] =	stream.linear.gather [hbm4b:s4+s5], $0x80, $0x38;
	[tilespmem:$0x8080] =	vst v63  }
0x193: {  	_ =	swait.ge [sflag:s14], $0x80  }
0x194: {  	[sflag:s14] =	ssyncset.done $0x0  }
0x195: {  	[sflag:s14] =	ssyncadd.s32 $0xFFFFFF80  }
0x196: {  	v3 =	vld [tilespmem:$0x0];
	_ =	sdelay $0x4  }
0x197: {  	v56 =	vshll.u32 v3, $0x1  }
0x198: {  	v3 =	vand.u32 $0x7, v3;
	v4 =	vand.u32 $0xFFFFFFF0, v56  }
0x199: {  	v3 =	vor.u32 v3, v4  }
0x19a: {  	v4 =	vperm.xlane v3, v0;
	_ =	sdelay $0x1  }
0x19b: {  	v3 =	vperm.xlane v3, v2;
	v4 =	vadd.s32 v1, v4;
	_ =	sdelay $0x1  }
0x19c: {  	v3 =	vadd.s32 v1, v3;
	_ =	sdelay $0x2  }
0x19d: {  	[tilespmem:s15], [sflag:$0x1] =	stream.indirect_vreg.gather [hbm4b:s1+s5], $0x80, v4, vm0, $0xb8;
	[tilespmem:$0x8080] =	vst v63  }
0x19e: {  	_ = 	snop  }
0x19f: {  	[tilespmem:s16], [sflag:$0x1] =	stream.indirect_vreg.gather [hbm4b:s1+s5], $0x80, v3, vm0, $0xb8;
	[tilespmem:$0x8080] =	vst v63  }
0x1a0: {  	v3 =	vld [tilespmem:$0x10];
	_ =	sdelay $0x4  }
0x1a1: {  	v57 =	vshll.u32 v3, $0x1  }
0x1a2: {  	v3 =	vand.u32 $0x7, v3;
	v4 =	vand.u32 $0xFFFFFFF0, v57  }
0x1a3: {  	v3 =	vor.u32 v3, v4  }
0x1a4: {  	v4 =	vperm.xlane v3, v0;
	_ =	sdelay $0x1  }
0x1a5: {  	v3 =	vperm.xlane v3, v2;
	v4 =	vadd.s32 v1, v4;
	_ =	sdelay $0x1  }
0x1a6: {  	v3 =	vadd.s32 v1, v3;
	_ =	sdelay $0x2  }
0x1a7: {  	[tilespmem:s17], [sflag:$0x1] =	stream.indirect_vreg.gather [hbm4b:s1+s5], $0x80, v4, vm0, $0xb8;
	[tilespmem:$0x8080] =	vst v63  }
0x1a8: {  	_ = 	snop  }
0x1a9: {  	[tilespmem:s18], [sflag:$0x1] =	stream.indirect_vreg.gather [hbm4b:s1+s5], $0x80, v3, vm0, $0xb8;
	[tilespmem:$0x8080] =	vst v63  }
0x1aa: {  	v3 =	vld [tilespmem:$0x20];
	_ =	sdelay $0x4  }
0x1ab: {  	v58 =	vshll.u32 v3, $0x1  }
0x1ac: {  	v3 =	vand.u32 $0x7, v3;
	v4 =	vand.u32 $0xFFFFFFF0, v58  }
0x1ad: {  	v3 =	vor.u32 v3, v4  }
0x1ae: {  	v4 =	vperm.xlane v3, v0;
	_ =	sdelay $0x1  }
0x1af: {  	v3 =	vperm.xlane v3, v2;
	v4 =	vadd.s32 v1, v4;
	_ =	sdelay $0x1  }
0x1b0: {  	v3 =	vadd.s32 v1, v3;
	_ =	sdelay $0x2  }
0x1b1: {  	[tilespmem:s19], [sflag:$0x1] =	stream.indirect_vreg.gather [hbm4b:s1+s5], $0x80, v4, vm0, $0xb8;
	[tilespmem:$0x8080] =	vst v63  }
0x1b2: {  	_ = 	snop  }
0x1b3: {  	[tilespmem:s20], [sflag:$0x1] =	stream.indirect_vreg.gather [hbm4b:s1+s5], $0x80, v3, vm0, $0xb8;
	[tilespmem:$0x8080] =	vst v63  }
0x1b4: {  	v3 =	vld [tilespmem:$0x30];
	_ =	sdelay $0x4  }
0x1b5: {  	v59 =	vshll.u32 v3, $0x1  }
0x1b6: {  	v3 =	vand.u32 $0x7, v3;
	v4 =	vand.u32 $0xFFFFFFF0, v59  }
0x1b7: {  	v3 =	vor.u32 v3, v4  }
0x1b8: {  	v4 =	vperm.xlane v3, v0;
	_ =	sdelay $0x1  }
0x1b9: {  	v3 =	vperm.xlane v3, v2;
	v4 =	vadd.s32 v1, v4;
	_ =	sdelay $0x1  }
0x1ba: {  	v3 =	vadd.s32 v1, v3;
	_ =	sdelay $0x2  }
0x1bb: {  	[tilespmem:s21], [sflag:$0x1] =	stream.indirect_vreg.gather [hbm4b:s1+s5], $0x80, v4, vm0, $0xb8;
	[tilespmem:$0x8080] =	vst v63  }
0x1bc: {  	_ = 	snop  }
0x1bd: {  	[tilespmem:s22], [sflag:$0x1] =	stream.indirect_vreg.gather [hbm4b:s1+s5], $0x80, v3, vm0, $0xb8;
	[tilespmem:$0x8080] =	vst v63  }
0x1be: {  	v3 =	vld [tilespmem:$0x40];
	_ =	sdelay $0x4  }
0x1bf: {  	v60 =	vshll.u32 v3, $0x1  }
0x1c0: {  	v3 =	vand.u32 $0x7, v3;
	v4 =	vand.u32 $0xFFFFFFF0, v60  }
0x1c1: {  	v3 =	vor.u32 v3, v4  }
0x1c2: {  	v4 =	vperm.xlane v3, v0;
	_ =	sdelay $0x1  }
0x1c3: {  	v3 =	vperm.xlane v3, v2;
	v4 =	vadd.s32 v1, v4;
	_ =	sdelay $0x1  }
0x1c4: {  	v3 =	vadd.s32 v1, v3;
	_ =	sdelay $0x2  }
0x1c5: {  	[tilespmem:s23], [sflag:$0x1] =	stream.indirect_vreg.gather [hbm4b:s1+s5], $0x80, v4, vm0, $0xb8;
	[tilespmem:$0x8080] =	vst v63  }
0x1c6: {  	_ = 	snop  }
0x1c7: {  	[tilespmem:s24], [sflag:$0x1] =	stream.indirect_vreg.gather [hbm4b:s1+s5], $0x80, v3, vm0, $0xb8;
	[tilespmem:$0x8080] =	vst v63  }
0x1c8: {  	v3 =	vld [tilespmem:$0x50];
	_ =	sdelay $0x4  }
0x1c9: {  	v61 =	vshll.u32 v3, $0x1  }
0x1ca: {  	v3 =	vand.u32 $0x7, v3;
	v4 =	vand.u32 $0xFFFFFFF0, v61  }
0x1cb: {  	v3 =	vor.u32 v3, v4  }
0x1cc: {  	v4 =	vperm.xlane v3, v0;
	_ =	sdelay $0x1  }
0x1cd: {  	v3 =	vperm.xlane v3, v2;
	v4 =	vadd.s32 v1, v4;
	_ =	sdelay $0x1  }
0x1ce: {  	v3 =	vadd.s32 v1, v3;
	_ =	sdelay $0x2  }
0x1cf: {  	[tilespmem:s25], [sflag:$0x1] =	stream.indirect_vreg.gather [hbm4b:s1+s5], $0x80, v4, vm0, $0xb8;
	[tilespmem:$0x8080] =	vst v63  }
0x1d0: {  	_ = 	snop  }
0x1d1: {  	[tilespmem:s26], [sflag:$0x1] =	stream.indirect_vreg.gather [hbm4b:s1+s5], $0x80, v3, vm0, $0xb8;
	[tilespmem:$0x8080] =	vst v63  }
0x1d2: {  	v3 =	vld [tilespmem:$0x60];
	_ =	sdelay $0x4  }
0x1d3: {  	v62 =	vshll.u32 v3, $0x1  }
0x1d4: {  	v3 =	vand.u32 $0x7, v3;
	v4 =	vand.u32 $0xFFFFFFF0, v62  }
0x1d5: {  	v3 =	vor.u32 v3, v4  }
0x1d6: {  	v4 =	vperm.xlane v3, v0;
	_ =	sdelay $0x1  }
0x1d7: {  	v3 =	vperm.xlane v3, v2;
	v4 =	vadd.s32 v1, v4;
	_ =	sdelay $0x1  }
0x1d8: {  	v3 =	vadd.s32 v1, v3;
	_ =	sdelay $0x2  }
0x1d9: {  	[tilespmem:s28], [sflag:$0x1] =	stream.indirect_vreg.gather [hbm4b:s1+s5], $0x80, v4, vm0, $0xb8;
	[tilespmem:$0x8080] =	vst v63  }
0x1da: {  	_ = 	snop  }
0x1db: {  	[tilespmem:s29], [sflag:$0x1] =	stream.indirect_vreg.gather [hbm4b:s1+s5], $0x80, v3, vm0, $0xb8;
	[tilespmem:$0x8080] =	vst v63  }
0x1dc: {  	v3 =	vld [tilespmem:$0x70];
	_ =	sdelay $0x4  }
0x1dd: {  	v63 =	vshll.u32 v3, $0x1  }
0x1de: {  	v3 =	vand.u32 $0x7, v3;
	v4 =	vand.u32 $0xFFFFFFF0, v63  }
0x1df: {  	v3 =	vor.u32 v3, v4  }
0x1e0: {  	v4 =	vperm.xlane v3, v0;
	_ =	sdelay $0x1  }
0x1e1: {  	v3 =	vperm.xlane v3, v2;
	v4 =	vadd.s32 v1, v4;
	_ =	sdelay $0x1  }
0x1e2: {  	v3 =	vadd.s32 v1, v3;
	_ =	sdelay $0x2  }
0x1e3: {  	[tilespmem:s30], [sflag:$0x1] =	stream.indirect_vreg.gather [hbm4b:s1+s5], $0x80, v4, vm0, $0xb8;
	[tilespmem:$0x8080] =	vst v63  }
0x1e4: {  	_ = 	snop  }
0x1e5: {  	[tilespmem:s31], [sflag:$0x1] =	stream.indirect_vreg.gather [hbm4b:s1+s5], $0x80, v3, vm0, $0xb8;
	[tilespmem:$0x8080] =	vst v63  }
0x1e6: {  	_ =	swait.ge [sflag:s3], $0x8000  }
0x1e7: {  	[sflag:s3] =	ssyncset.done $0x0  }
0x1e8: {  	s4 =	rddreg [dreg:$0x12];
	[sflag:s3] =	ssyncadd.s32 $0xFFFF8000  }
0x1e9: {  	[hbm4b:s4+s5] =	stream.linear.scatter [tilespmem:s15], [sflag:$0x2], $0x8000, $0x38;
	[tilespmem:$0x8080] =	vst v63  }
0x1ea: {  	_ =	swait.ge [sflag:s14], $0x8000  }
0x1eb: {  	[sflag:s14] =	ssyncset.done $0x0  }
0x1ec: {  	s4 =	rddreg [dreg:$0x13];
	[sflag:s14] =	ssyncadd.s32 $0xFFFF8000  }
0x1ed: {  	[tilespmem:s5], [sflag:$0x2] =	stream.linear.gather [hbm4b:s4+s5], $0x80, $0x38;
	[tilespmem:$0x8080] =	vst v63  }
0x1ee: {  	_ =	swait.ge [sflag:s14], $0x80  }
0x1ef: {  	[sflag:s14] =	ssyncset.done $0x0  }
0x1f0: {  	[sflag:s14] =	ssyncadd.s32 $0xFFFFFF80  }
0x1f1: {  	v3 =	vld [tilespmem:$0x0];
	_ =	sdelay $0x4  }
0x1f2: {  	v8 =	vshll.u32 v3, $0x1  }
0x1f3: {  	v3 =	vand.u32 $0x7, v3;
	v4 =	vand.u32 $0xFFFFFFF0, v8  }
0x1f4: {  	v3 =	vor.u32 v3, v4  }
0x1f5: {  	v4 =	vperm.xlane v3, v0;
	_ =	sdelay $0x1  }
0x1f6: {  	v3 =	vperm.xlane v3, v2;
	v4 =	vadd.s32 v1, v4;
	_ =	sdelay $0x1  }
0x1f7: {  	v3 =	vadd.s32 v1, v3;
	_ =	sdelay $0x2  }
0x1f8: {  	[tilespmem:s15], [sflag:$0x1] =	stream.indirect_vreg.gather [hbm4b:s1+s5], $0x80, v4, vm0, $0xb8;
	[tilespmem:$0x8080] =	vst v63  }
0x1f9: {  	_ = 	snop  }
0x1fa: {  	[tilespmem:s16], [sflag:$0x1] =	stream.indirect_vreg.gather [hbm4b:s1+s5], $0x80, v3, vm0, $0xb8;
	[tilespmem:$0x8080] =	vst v63  }
0x1fb: {  	v3 =	vld [tilespmem:$0x10];
	_ =	sdelay $0x4  }
0x1fc: {  	v9 =	vshll.u32 v3, $0x1  }
0x1fd: {  	v3 =	vand.u32 $0x7, v3;
	v4 =	vand.u32 $0xFFFFFFF0, v9  }
0x1fe: {  	v3 =	vor.u32 v3, v4  }
0x1ff: {  	v4 =	vperm.xlane v3, v0;
	_ =	sdelay $0x1  }
0x200: {  	v3 =	vperm.xlane v3, v2;
	v4 =	vadd.s32 v1, v4;
	_ =	sdelay $0x1  }
0x201: {  	v3 =	vadd.s32 v1, v3;
	_ =	sdelay $0x2  }
0x202: {  	[tilespmem:s17], [sflag:$0x1] =	stream.indirect_vreg.gather [hbm4b:s1+s5], $0x80, v4, vm0, $0xb8;
	[tilespmem:$0x8080] =	vst v63  }
0x203: {  	_ = 	snop  }
0x204: {  	[tilespmem:s18], [sflag:$0x1] =	stream.indirect_vreg.gather [hbm4b:s1+s5], $0x80, v3, vm0, $0xb8;
	[tilespmem:$0x8080] =	vst v63  }
0x205: {  	v3 =	vld [tilespmem:$0x20];
	_ =	sdelay $0x4  }
0x206: {  	v10 =	vshll.u32 v3, $0x1  }
0x207: {  	v3 =	vand.u32 $0x7, v3;
	v4 =	vand.u32 $0xFFFFFFF0, v10  }
0x208: {  	v3 =	vor.u32 v3, v4  }
0x209: {  	v4 =	vperm.xlane v3, v0;
	_ =	sdelay $0x1  }
0x20a: {  	v3 =	vperm.xlane v3, v2;
	v4 =	vadd.s32 v1, v4;
	_ =	sdelay $0x1  }
0x20b: {  	v3 =	vadd.s32 v1, v3;
	_ =	sdelay $0x2  }
0x20c: {  	[tilespmem:s19], [sflag:$0x1] =	stream.indirect_vreg.gather [hbm4b:s1+s5], $0x80, v4, vm0, $0xb8;
	[tilespmem:$0x8080] =	vst v63  }
0x20d: {  	_ = 	snop  }
0x20e: {  	[tilespmem:s20], [sflag:$0x1] =	stream.indirect_vreg.gather [hbm4b:s1+s5], $0x80, v3, vm0, $0xb8;
	[tilespmem:$0x8080] =	vst v63  }
0x20f: {  	v3 =	vld [tilespmem:$0x30];
	_ =	sdelay $0x4  }
0x210: {  	v11 =	vshll.u32 v3, $0x1  }
0x211: {  	v3 =	vand.u32 $0x7, v3;
	v4 =	vand.u32 $0xFFFFFFF0, v11  }
0x212: {  	v3 =	vor.u32 v3, v4  }
0x213: {  	v4 =	vperm.xlane v3, v0;
	_ =	sdelay $0x1  }
0x214: {  	v3 =	vperm.xlane v3, v2;
	v4 =	vadd.s32 v1, v4;
	_ =	sdelay $0x1  }
0x215: {  	v3 =	vadd.s32 v1, v3;
	_ =	sdelay $0x2  }
0x216: {  	[tilespmem:s21], [sflag:$0x1] =	stream.indirect_vreg.gather [hbm4b:s1+s5], $0x80, v4, vm0, $0xb8;
	[tilespmem:$0x8080] =	vst v63  }
0x217: {  	_ = 	snop  }
0x218: {  	[tilespmem:s22], [sflag:$0x1] =	stream.indirect_vreg.gather [hbm4b:s1+s5], $0x80, v3, vm0, $0xb8;
	[tilespmem:$0x8080] =	vst v63  }
0x219: {  	v3 =	vld [tilespmem:$0x40];
	_ =	sdelay $0x4  }
0x21a: {  	v12 =	vshll.u32 v3, $0x1  }
0x21b: {  	v3 =	vand.u32 $0x7, v3;
	v4 =	vand.u32 $0xFFFFFFF0, v12  }
0x21c: {  	v3 =	vor.u32 v3, v4  }
0x21d: {  	v4 =	vperm.xlane v3, v0;
	_ =	sdelay $0x1  }
0x21e: {  	v3 =	vperm.xlane v3, v2;
	v4 =	vadd.s32 v1, v4;
	_ =	sdelay $0x1  }
0x21f: {  	v3 =	vadd.s32 v1, v3;
	_ =	sdelay $0x2  }
0x220: {  	[tilespmem:s23], [sflag:$0x1] =	stream.indirect_vreg.gather [hbm4b:s1+s5], $0x80, v4, vm0, $0xb8;
	[tilespmem:$0x8080] =	vst v63  }
0x221: {  	_ = 	snop  }
0x222: {  	[tilespmem:s24], [sflag:$0x1] =	stream.indirect_vreg.gather [hbm4b:s1+s5], $0x80, v3, vm0, $0xb8;
	[tilespmem:$0x8080] =	vst v63  }
0x223: {  	v3 =	vld [tilespmem:$0x50];
	_ =	sdelay $0x4  }
0x224: {  	v13 =	vshll.u32 v3, $0x1  }
0x225: {  	v3 =	vand.u32 $0x7, v3;
	v4 =	vand.u32 $0xFFFFFFF0, v13  }
0x226: {  	v3 =	vor.u32 v3, v4  }
0x227: {  	v4 =	vperm.xlane v3, v0;
	_ =	sdelay $0x1  }
0x228: {  	v3 =	vperm.xlane v3, v2;
	v4 =	vadd.s32 v1, v4;
	_ =	sdelay $0x1  }
0x229: {  	v3 =	vadd.s32 v1, v3;
	_ =	sdelay $0x2  }
0x22a: {  	[tilespmem:s25], [sflag:$0x1] =	stream.indirect_vreg.gather [hbm4b:s1+s5], $0x80, v4, vm0, $0xb8;
	[tilespmem:$0x8080] =	vst v63  }
0x22b: {  	_ = 	snop  }
0x22c: {  	[tilespmem:s26], [sflag:$0x1] =	stream.indirect_vreg.gather [hbm4b:s1+s5], $0x80, v3, vm0, $0xb8;
	[tilespmem:$0x8080] =	vst v63  }
0x22d: {  	v3 =	vld [tilespmem:$0x60];
	_ =	sdelay $0x4  }
0x22e: {  	v14 =	vshll.u32 v3, $0x1  }
0x22f: {  	v3 =	vand.u32 $0x7, v3;
	v4 =	vand.u32 $0xFFFFFFF0, v14  }
0x230: {  	v3 =	vor.u32 v3, v4  }
0x231: {  	v4 =	vperm.xlane v3, v0;
	_ =	sdelay $0x1  }
0x232: {  	v3 =	vperm.xlane v3, v2;
	v4 =	vadd.s32 v1, v4;
	_ =	sdelay $0x1  }
0x233: {  	v3 =	vadd.s32 v1, v3;
	_ =	sdelay $0x2  }
0x234: {  	[tilespmem:s28], [sflag:$0x1] =	stream.indirect_vreg.gather [hbm4b:s1+s5], $0x80, v4, vm0, $0xb8;
	[tilespmem:$0x8080] =	vst v63  }
0x235: {  	_ = 	snop  }
0x236: {  	[tilespmem:s29], [sflag:$0x1] =	stream.indirect_vreg.gather [hbm4b:s1+s5], $0x80, v3, vm0, $0xb8;
	[tilespmem:$0x8080] =	vst v63  }
0x237: {  	v3 =	vld [tilespmem:$0x70];
	_ =	sdelay $0x4  }
0x238: {  	v15 =	vshll.u32 v3, $0x1  }
0x239: {  	v3 =	vand.u32 $0x7, v3;
	v4 =	vand.u32 $0xFFFFFFF0, v15  }
0x23a: {  	v3 =	vor.u32 v3, v4  }
0x23b: {  	v4 =	vperm.xlane v3, v0;
	_ =	sdelay $0x1  }
0x23c: {  	v3 =	vperm.xlane v3, v2;
	v4 =	vadd.s32 v1, v4;
	_ =	sdelay $0x1  }
0x23d: {  	v3 =	vadd.s32 v1, v3;
	_ =	sdelay $0x2  }
0x23e: {  	[tilespmem:s30], [sflag:$0x1] =	stream.indirect_vreg.gather [hbm4b:s1+s5], $0x80, v4, vm0, $0xb8;
	[tilespmem:$0x8080] =	vst v63  }
0x23f: {  	_ = 	snop  }
0x240: {  	[tilespmem:s31], [sflag:$0x1] =	stream.indirect_vreg.gather [hbm4b:s1+s5], $0x80, v3, vm0, $0xb8;
	[tilespmem:$0x8080] =	vst v63  }
0x241: {  	_ =	swait.ge [sflag:s3], $0x8000  }
0x242: {  	[sflag:s3] =	ssyncset.done $0x0  }
0x243: {  	s4 =	rddreg [dreg:$0x14];
	[sflag:s3] =	ssyncadd.s32 $0xFFFF8000  }
0x244: {  	[hbm4b:s4+s5] =	stream.linear.scatter [tilespmem:s15], [sflag:$0x2], $0x8000, $0x38;
	[tilespmem:$0x8080] =	vst v63  }
0x245: {  	_ =	swait.ge [sflag:s14], $0x8000  }
0x246: {  	[sflag:s14] =	ssyncset.done $0x0  }
0x247: {  	s4 =	rddreg [dreg:$0x15];
	[sflag:s14] =	ssyncadd.s32 $0xFFFF8000  }
0x248: {  	[tilespmem:s5], [sflag:$0x2] =	stream.linear.gather [hbm4b:s4+s5], $0x80, $0x38;
	[tilespmem:$0x8080] =	vst v63  }
0x249: {  	_ =	swait.ge [sflag:s14], $0x80  }
0x24a: {  	[sflag:s14] =	ssyncset.done $0x0  }
0x24b: {  	[sflag:s14] =	ssyncadd.s32 $0xFFFFFF80  }
0x24c: {  	v3 =	vld [tilespmem:$0x0];
	_ =	sdelay $0x4  }
0x24d: {  	v16 =	vshll.u32 v3, $0x1  }
0x24e: {  	v3 =	vand.u32 $0x7, v3;
	v4 =	vand.u32 $0xFFFFFFF0, v16  }
0x24f: {  	v3 =	vor.u32 v3, v4  }
0x250: {  	v4 =	vperm.xlane v3, v0;
	_ =	sdelay $0x1  }
0x251: {  	v3 =	vperm.xlane v3, v2;
	v4 =	vadd.s32 v1, v4;
	_ =	sdelay $0x1  }
0x252: {  	v3 =	vadd.s32 v1, v3;
	_ =	sdelay $0x2  }
0x253: {  	[tilespmem:s15], [sflag:$0x1] =	stream.indirect_vreg.gather [hbm4b:s1+s5], $0x80, v4, vm0, $0xb8;
	[tilespmem:$0x8080] =	vst v63  }
0x254: {  	_ = 	snop  }
0x255: {  	[tilespmem:s16], [sflag:$0x1] =	stream.indirect_vreg.gather [hbm4b:s1+s5], $0x80, v3, vm0, $0xb8;
	[tilespmem:$0x8080] =	vst v63  }
0x256: {  	v3 =	vld [tilespmem:$0x10];
	_ =	sdelay $0x4  }
0x257: {  	v17 =	vshll.u32 v3, $0x1  }
0x258: {  	v3 =	vand.u32 $0x7, v3;
	v4 =	vand.u32 $0xFFFFFFF0, v17  }
0x259: {  	v3 =	vor.u32 v3, v4  }
0x25a: {  	v4 =	vperm.xlane v3, v0;
	_ =	sdelay $0x1  }
0x25b: {  	v3 =	vperm.xlane v3, v2;
	v4 =	vadd.s32 v1, v4;
	_ =	sdelay $0x1  }
0x25c: {  	v3 =	vadd.s32 v1, v3;
	_ =	sdelay $0x2  }
0x25d: {  	[tilespmem:s17], [sflag:$0x1] =	stream.indirect_vreg.gather [hbm4b:s1+s5], $0x80, v4, vm0, $0xb8;
	[tilespmem:$0x8080] =	vst v63  }
0x25e: {  	_ = 	snop  }
0x25f: {  	[tilespmem:s18], [sflag:$0x1] =	stream.indirect_vreg.gather [hbm4b:s1+s5], $0x80, v3, vm0, $0xb8;
	[tilespmem:$0x8080] =	vst v63  }
0x260: {  	v3 =	vld [tilespmem:$0x20];
	_ =	sdelay $0x4  }
0x261: {  	v18 =	vshll.u32 v3, $0x1  }
0x262: {  	v3 =	vand.u32 $0x7, v3;
	v4 =	vand.u32 $0xFFFFFFF0, v18  }
0x263: {  	v3 =	vor.u32 v3, v4  }
0x264: {  	v4 =	vperm.xlane v3, v0;
	_ =	sdelay $0x1  }
0x265: {  	v3 =	vperm.xlane v3, v2;
	v4 =	vadd.s32 v1, v4;
	_ =	sdelay $0x1  }
0x266: {  	v3 =	vadd.s32 v1, v3;
	_ =	sdelay $0x2  }
0x267: {  	[tilespmem:s19], [sflag:$0x1] =	stream.indirect_vreg.gather [hbm4b:s1+s5], $0x80, v4, vm0, $0xb8;
	[tilespmem:$0x8080] =	vst v63  }
0x268: {  	_ = 	snop  }
0x269: {  	[tilespmem:s20], [sflag:$0x1] =	stream.indirect_vreg.gather [hbm4b:s1+s5], $0x80, v3, vm0, $0xb8;
	[tilespmem:$0x8080] =	vst v63  }
0x26a: {  	v3 =	vld [tilespmem:$0x30];
	_ =	sdelay $0x4  }
0x26b: {  	v19 =	vshll.u32 v3, $0x1  }
0x26c: {  	v3 =	vand.u32 $0x7, v3;
	v4 =	vand.u32 $0xFFFFFFF0, v19  }
0x26d: {  	v3 =	vor.u32 v3, v4  }
0x26e: {  	v4 =	vperm.xlane v3, v0;
	_ =	sdelay $0x1  }
0x26f: {  	v3 =	vperm.xlane v3, v2;
	v4 =	vadd.s32 v1, v4;
	_ =	sdelay $0x1  }
0x270: {  	v3 =	vadd.s32 v1, v3;
	_ =	sdelay $0x2  }
0x271: {  	[tilespmem:s21], [sflag:$0x1] =	stream.indirect_vreg.gather [hbm4b:s1+s5], $0x80, v4, vm0, $0xb8;
	[tilespmem:$0x8080] =	vst v63  }
0x272: {  	_ = 	snop  }
0x273: {  	[tilespmem:s22], [sflag:$0x1] =	stream.indirect_vreg.gather [hbm4b:s1+s5], $0x80, v3, vm0, $0xb8;
	[tilespmem:$0x8080] =	vst v63  }
0x274: {  	v3 =	vld [tilespmem:$0x40];
	_ =	sdelay $0x4  }
0x275: {  	v20 =	vshll.u32 v3, $0x1  }
0x276: {  	v3 =	vand.u32 $0x7, v3;
	v4 =	vand.u32 $0xFFFFFFF0, v20  }
0x277: {  	v3 =	vor.u32 v3, v4  }
0x278: {  	v4 =	vperm.xlane v3, v0;
	_ =	sdelay $0x1  }
0x279: {  	v3 =	vperm.xlane v3, v2;
	v4 =	vadd.s32 v1, v4;
	_ =	sdelay $0x1  }
0x27a: {  	v3 =	vadd.s32 v1, v3;
	_ =	sdelay $0x2  }
0x27b: {  	[tilespmem:s23], [sflag:$0x1] =	stream.indirect_vreg.gather [hbm4b:s1+s5], $0x80, v4, vm0, $0xb8;
	[tilespmem:$0x8080] =	vst v63  }
0x27c: {  	_ = 	snop  }
0x27d: {  	[tilespmem:s24], [sflag:$0x1] =	stream.indirect_vreg.gather [hbm4b:s1+s5], $0x80, v3, vm0, $0xb8;
	[tilespmem:$0x8080] =	vst v63  }
0x27e: {  	v3 =	vld [tilespmem:$0x50];
	_ =	sdelay $0x4  }
0x27f: {  	v21 =	vshll.u32 v3, $0x1  }
0x280: {  	v3 =	vand.u32 $0x7, v3;
	v4 =	vand.u32 $0xFFFFFFF0, v21  }
0x281: {  	v3 =	vor.u32 v3, v4  }
0x282: {  	v4 =	vperm.xlane v3, v0;
	_ =	sdelay $0x1  }
0x283: {  	v3 =	vperm.xlane v3, v2;
	v4 =	vadd.s32 v1, v4;
	_ =	sdelay $0x1  }
0x284: {  	v3 =	vadd.s32 v1, v3;
	_ =	sdelay $0x2  }
0x285: {  	[tilespmem:s25], [sflag:$0x1] =	stream.indirect_vreg.gather [hbm4b:s1+s5], $0x80, v4, vm0, $0xb8;
	[tilespmem:$0x8080] =	vst v63  }
0x286: {  	_ = 	snop  }
0x287: {  	[tilespmem:s26], [sflag:$0x1] =	stream.indirect_vreg.gather [hbm4b:s1+s5], $0x80, v3, vm0, $0xb8;
	[tilespmem:$0x8080] =	vst v63  }
0x288: {  	v3 =	vld [tilespmem:$0x60];
	_ =	sdelay $0x4  }
0x289: {  	v22 =	vshll.u32 v3, $0x1  }
0x28a: {  	v3 =	vand.u32 $0x7, v3;
	v4 =	vand.u32 $0xFFFFFFF0, v22  }
0x28b: {  	v3 =	vor.u32 v3, v4  }
0x28c: {  	v4 =	vperm.xlane v3, v0;
	_ =	sdelay $0x1  }
0x28d: {  	v3 =	vperm.xlane v3, v2;
	v4 =	vadd.s32 v1, v4;
	_ =	sdelay $0x1  }
0x28e: {  	v3 =	vadd.s32 v1, v3;
	_ =	sdelay $0x2  }
0x28f: {  	[tilespmem:s28], [sflag:$0x1] =	stream.indirect_vreg.gather [hbm4b:s1+s5], $0x80, v4, vm0, $0xb8;
	[tilespmem:$0x8080] =	vst v63  }
0x290: {  	_ = 	snop  }
0x291: {  	[tilespmem:s29], [sflag:$0x1] =	stream.indirect_vreg.gather [hbm4b:s1+s5], $0x80, v3, vm0, $0xb8;
	[tilespmem:$0x8080] =	vst v63  }
0x292: {  	v3 =	vld [tilespmem:$0x70];
	_ =	sdelay $0x4  }
0x293: {  	v23 =	vshll.u32 v3, $0x1  }
0x294: {  	v3 =	vand.u32 $0x7, v3;
	v4 =	vand.u32 $0xFFFFFFF0, v23  }
0x295: {  	v3 =	vor.u32 v3, v4  }
0x296: {  	v4 =	vperm.xlane v3, v0;
	_ =	sdelay $0x1  }
0x297: {  	v3 =	vperm.xlane v3, v2;
	v4 =	vadd.s32 v1, v4;
	_ =	sdelay $0x1  }
0x298: {  	v3 =	vadd.s32 v1, v3;
	_ =	sdelay $0x2  }
0x299: {  	[tilespmem:s30], [sflag:$0x1] =	stream.indirect_vreg.gather [hbm4b:s1+s5], $0x80, v4, vm0, $0xb8;
	[tilespmem:$0x8080] =	vst v63  }
0x29a: {  	_ = 	snop  }
0x29b: {  	[tilespmem:s31], [sflag:$0x1] =	stream.indirect_vreg.gather [hbm4b:s1+s5], $0x80, v3, vm0, $0xb8;
	[tilespmem:$0x8080] =	vst v63  }
0x29c: {  	_ =	swait.ge [sflag:s3], $0x8000  }
0x29d: {  	[sflag:s3] =	ssyncset.done $0x0  }
0x29e: {  	s4 =	rddreg [dreg:$0x16];
	[sflag:s3] =	ssyncadd.s32 $0xFFFF8000  }
0x29f: {  	[hbm4b:s4+s5] =	stream.linear.scatter [tilespmem:s15], [sflag:$0x2], $0x8000, $0x38;
	[tilespmem:$0x8080] =	vst v63  }
0x2a0: {  	_ =	swait.ge [sflag:s14], $0x8000  }
0x2a1: {  	[sflag:s14] =	ssyncset.done $0x0  }
0x2a2: {  	s4 =	rddreg [dreg:$0x17];
	[sflag:s14] =	ssyncadd.s32 $0xFFFF8000  }
0x2a3: {  	[tilespmem:s5], [sflag:$0x2] =	stream.linear.gather [hbm4b:s4+s5], $0x80, $0x38;
	[tilespmem:$0x8080] =	vst v63  }
0x2a4: {  	_ =	swait.ge [sflag:s14], $0x80  }
0x2a5: {  	[sflag:s14] =	ssyncset.done $0x0  }
0x2a6: {  	[sflag:s14] =	ssyncadd.s32 $0xFFFFFF80  }
0x2a7: {  	v3 =	vld [tilespmem:$0x0];
	_ =	sdelay $0x4  }
0x2a8: {  	v24 =	vshll.u32 v3, $0x1  }
0x2a9: {  	v3 =	vand.u32 $0x7, v3;
	v4 =	vand.u32 $0xFFFFFFF0, v24  }
0x2aa: {  	v3 =	vor.u32 v3, v4  }
0x2ab: {  	v4 =	vperm.xlane v3, v0;
	_ =	sdelay $0x1  }
0x2ac: {  	v3 =	vperm.xlane v3, v2;
	v4 =	vadd.s32 v1, v4;
	_ =	sdelay $0x1  }
0x2ad: {  	v3 =	vadd.s32 v1, v3;
	_ =	sdelay $0x2  }
0x2ae: {  	[tilespmem:s15], [sflag:$0x1] =	stream.indirect_vreg.gather [hbm4b:s1+s5], $0x80, v4, vm0, $0xb8;
	[tilespmem:$0x8080] =	vst v63  }
0x2af: {  	_ = 	snop  }
0x2b0: {  	[tilespmem:s16], [sflag:$0x1] =	stream.indirect_vreg.gather [hbm4b:s1+s5], $0x80, v3, vm0, $0xb8;
	[tilespmem:$0x8080] =	vst v63  }
0x2b1: {  	v3 =	vld [tilespmem:$0x10];
	_ =	sdelay $0x4  }
0x2b2: {  	v25 =	vshll.u32 v3, $0x1  }
0x2b3: {  	v3 =	vand.u32 $0x7, v3;
	v4 =	vand.u32 $0xFFFFFFF0, v25  }
0x2b4: {  	v3 =	vor.u32 v3, v4  }
0x2b5: {  	v4 =	vperm.xlane v3, v0;
	_ =	sdelay $0x1  }
0x2b6: {  	v3 =	vperm.xlane v3, v2;
	v4 =	vadd.s32 v1, v4;
	_ =	sdelay $0x1  }
0x2b7: {  	v3 =	vadd.s32 v1, v3;
	_ =	sdelay $0x2  }
0x2b8: {  	[tilespmem:s17], [sflag:$0x1] =	stream.indirect_vreg.gather [hbm4b:s1+s5], $0x80, v4, vm0, $0xb8;
	[tilespmem:$0x8080] =	vst v63  }
0x2b9: {  	_ = 	snop  }
0x2ba: {  	[tilespmem:s18], [sflag:$0x1] =	stream.indirect_vreg.gather [hbm4b:s1+s5], $0x80, v3, vm0, $0xb8;
	[tilespmem:$0x8080] =	vst v63  }
0x2bb: {  	v3 =	vld [tilespmem:$0x20];
	_ =	sdelay $0x4  }
0x2bc: {  	v26 =	vshll.u32 v3, $0x1  }
0x2bd: {  	v3 =	vand.u32 $0x7, v3;
	v4 =	vand.u32 $0xFFFFFFF0, v26  }
0x2be: {  	v3 =	vor.u32 v3, v4  }
0x2bf: {  	v4 =	vperm.xlane v3, v0;
	_ =	sdelay $0x1  }
0x2c0: {  	v3 =	vperm.xlane v3, v2;
	v4 =	vadd.s32 v1, v4;
	_ =	sdelay $0x1  }
0x2c1: {  	v3 =	vadd.s32 v1, v3;
	_ =	sdelay $0x2  }
0x2c2: {  	[tilespmem:s19], [sflag:$0x1] =	stream.indirect_vreg.gather [hbm4b:s1+s5], $0x80, v4, vm0, $0xb8;
	[tilespmem:$0x8080] =	vst v63  }
0x2c3: {  	_ = 	snop  }
0x2c4: {  	[tilespmem:s20], [sflag:$0x1] =	stream.indirect_vreg.gather [hbm4b:s1+s5], $0x80, v3, vm0, $0xb8;
	[tilespmem:$0x8080] =	vst v63  }
0x2c5: {  	v3 =	vld [tilespmem:$0x30];
	_ =	sdelay $0x4  }
0x2c6: {  	v27 =	vshll.u32 v3, $0x1  }
0x2c7: {  	v3 =	vand.u32 $0x7, v3;
	v4 =	vand.u32 $0xFFFFFFF0, v27  }
0x2c8: {  	v3 =	vor.u32 v3, v4  }
0x2c9: {  	v4 =	vperm.xlane v3, v0;
	_ =	sdelay $0x1  }
0x2ca: {  	v3 =	vperm.xlane v3, v2;
	v4 =	vadd.s32 v1, v4;
	_ =	sdelay $0x1  }
0x2cb: {  	v3 =	vadd.s32 v1, v3;
	_ =	sdelay $0x2  }
0x2cc: {  	[tilespmem:s21], [sflag:$0x1] =	stream.indirect_vreg.gather [hbm4b:s1+s5], $0x80, v4, vm0, $0xb8;
	[tilespmem:$0x8080] =	vst v63  }
0x2cd: {  	_ = 	snop  }
0x2ce: {  	[tilespmem:s22], [sflag:$0x1] =	stream.indirect_vreg.gather [hbm4b:s1+s5], $0x80, v3, vm0, $0xb8;
	[tilespmem:$0x8080] =	vst v63  }
0x2cf: {  	v3 =	vld [tilespmem:$0x40];
	_ =	sdelay $0x4  }
0x2d0: {  	v28 =	vshll.u32 v3, $0x1  }
0x2d1: {  	v3 =	vand.u32 $0x7, v3;
	v4 =	vand.u32 $0xFFFFFFF0, v28  }
0x2d2: {  	v3 =	vor.u32 v3, v4  }
0x2d3: {  	v4 =	vperm.xlane v3, v0;
	_ =	sdelay $0x1  }
0x2d4: {  	v3 =	vperm.xlane v3, v2;
	v4 =	vadd.s32 v1, v4;
	_ =	sdelay $0x1  }
0x2d5: {  	v3 =	vadd.s32 v1, v3;
	_ =	sdelay $0x2  }
0x2d6: {  	[tilespmem:s23], [sflag:$0x1] =	stream.indirect_vreg.gather [hbm4b:s1+s5], $0x80, v4, vm0, $0xb8;
	[tilespmem:$0x8080] =	vst v63  }
0x2d7: {  	_ = 	snop  }
0x2d8: {  	[tilespmem:s24], [sflag:$0x1] =	stream.indirect_vreg.gather [hbm4b:s1+s5], $0x80, v3, vm0, $0xb8;
	[tilespmem:$0x8080] =	vst v63  }
0x2d9: {  	v3 =	vld [tilespmem:$0x50];
	_ =	sdelay $0x4  }
0x2da: {  	v29 =	vshll.u32 v3, $0x1  }
0x2db: {  	v3 =	vand.u32 $0x7, v3;
	v4 =	vand.u32 $0xFFFFFFF0, v29  }
0x2dc: {  	v3 =	vor.u32 v3, v4  }
0x2dd: {  	v4 =	vperm.xlane v3, v0;
	_ =	sdelay $0x1  }
0x2de: {  	v3 =	vperm.xlane v3, v2;
	v4 =	vadd.s32 v1, v4;
	_ =	sdelay $0x1  }
0x2df: {  	v3 =	vadd.s32 v1, v3;
	_ =	sdelay $0x2  }
0x2e0: {  	[tilespmem:s25], [sflag:$0x1] =	stream.indirect_vreg.gather [hbm4b:s1+s5], $0x80, v4, vm0, $0xb8;
	[tilespmem:$0x8080] =	vst v63  }
0x2e1: {  	_ = 	snop  }
0x2e2: {  	[tilespmem:s26], [sflag:$0x1] =	stream.indirect_vreg.gather [hbm4b:s1+s5], $0x80, v3, vm0, $0xb8;
	[tilespmem:$0x8080] =	vst v63  }
0x2e3: {  	v3 =	vld [tilespmem:$0x60];
	_ =	sdelay $0x4  }
0x2e4: {  	v30 =	vshll.u32 v3, $0x1  }
0x2e5: {  	v3 =	vand.u32 $0x7, v3;
	v4 =	vand.u32 $0xFFFFFFF0, v30  }
0x2e6: {  	v3 =	vor.u32 v3, v4  }
0x2e7: {  	v4 =	vperm.xlane v3, v0;
	_ =	sdelay $0x1  }
0x2e8: {  	v3 =	vperm.xlane v3, v2;
	v4 =	vadd.s32 v1, v4;
	_ =	sdelay $0x1  }
0x2e9: {  	v3 =	vadd.s32 v1, v3;
	_ =	sdelay $0x2  }
0x2ea: {  	[tilespmem:s28], [sflag:$0x1] =	stream.indirect_vreg.gather [hbm4b:s1+s5], $0x80, v4, vm0, $0xb8;
	[tilespmem:$0x8080] =	vst v63  }
0x2eb: {  	_ = 	snop  }
0x2ec: {  	[tilespmem:s29], [sflag:$0x1] =	stream.indirect_vreg.gather [hbm4b:s1+s5], $0x80, v3, vm0, $0xb8;
	[tilespmem:$0x8080] =	vst v63  }
0x2ed: {  	v3 =	vld [tilespmem:$0x70];
	_ =	sdelay $0x4  }
0x2ee: {  	v31 =	vshll.u32 v3, $0x1  }
0x2ef: {  	v3 =	vand.u32 $0x7, v3;
	v4 =	vand.u32 $0xFFFFFFF0, v31  }
0x2f0: {  	v3 =	vor.u32 v3, v4  }
0x2f1: {  	v4 =	vperm.xlane v3, v0;
	_ =	sdelay $0x1  }
0x2f2: {  	v3 =	vperm.xlane v3, v2;
	v4 =	vadd.s32 v1, v4;
	_ =	sdelay $0x1  }
0x2f3: {  	v3 =	vadd.s32 v1, v3;
	_ =	sdelay $0x2  }
0x2f4: {  	[tilespmem:s30], [sflag:$0x1] =	stream.indirect_vreg.gather [hbm4b:s1+s5], $0x80, v4, vm0, $0xb8;
	[tilespmem:$0x8080] =	vst v63  }
0x2f5: {  	_ = 	snop  }
0x2f6: {  	[tilespmem:s31], [sflag:$0x1] =	stream.indirect_vreg.gather [hbm4b:s1+s5], $0x80, v3, vm0, $0xb8;
	[tilespmem:$0x8080] =	vst v63  }
0x2f7: {  	_ =	swait.ge [sflag:s3], $0x8000  }
0x2f8: {  	[sflag:s3] =	ssyncset.done $0x0  }
0x2f9: {  	s4 =	rddreg [dreg:$0x18];
	[sflag:s3] =	ssyncadd.s32 $0xFFFF8000  }
0x2fa: {  	[hbm4b:s4+s5] =	stream.linear.scatter [tilespmem:s15], [sflag:$0x2], $0x8000, $0x38;
	[tilespmem:$0x8080] =	vst v63  }
0x2fb: {  	_ =	swait.ge [sflag:s14], $0x8000  }
0x2fc: {  	[sflag:s14] =	ssyncset.done $0x0  }
0x2fd: {  	s4 =	rddreg [dreg:$0x19];
	[sflag:s14] =	ssyncadd.s32 $0xFFFF8000  }
0x2fe: {  	[tilespmem:s5], [sflag:$0x2] =	stream.linear.gather [hbm4b:s4+s5], $0x80, $0x38;
	[tilespmem:$0x8080] =	vst v63  }
0x2ff: {  	_ =	swait.ge [sflag:s14], $0x80  }
0x300: {  	[sflag:s14] =	ssyncset.done $0x0  }
0x301: {  	[sflag:s14] =	ssyncadd.s32 $0xFFFFFF80  }
0x302: {  	v3 =	vld [tilespmem:$0x0];
	_ =	sdelay $0x4  }
0x303: {  	v32 =	vshll.u32 v3, $0x1  }
0x304: {  	v3 =	vand.u32 $0x7, v3;
	v4 =	vand.u32 $0xFFFFFFF0, v32  }
0x305: {  	v3 =	vor.u32 v3, v4  }
0x306: {  	v4 =	vperm.xlane v3, v0;
	_ =	sdelay $0x1  }
0x307: {  	v3 =	vperm.xlane v3, v2;
	v4 =	vadd.s32 v1, v4;
	_ =	sdelay $0x1  }
0x308: {  	v3 =	vadd.s32 v1, v3;
	_ =	sdelay $0x2  }
0x309: {  	[tilespmem:s15], [sflag:$0x1] =	stream.indirect_vreg.gather [hbm4b:s2+s5], $0x80, v4, vm0, $0xb8;
	[tilespmem:$0x8080] =	vst v63  }
0x30a: {  	_ = 	snop  }
0x30b: {  	[tilespmem:s16], [sflag:$0x1] =	stream.indirect_vreg.gather [hbm4b:s2+s5], $0x80, v3, vm0, $0xb8;
	[tilespmem:$0x8080] =	vst v63  }
0x30c: {  	v3 =	vld [tilespmem:$0x10];
	_ =	sdelay $0x4  }
0x30d: {  	v33 =	vshll.u32 v3, $0x1  }
0x30e: {  	v3 =	vand.u32 $0x7, v3;
	v4 =	vand.u32 $0xFFFFFFF0, v33  }
0x30f: {  	v3 =	vor.u32 v3, v4  }
0x310: {  	v4 =	vperm.xlane v3, v0;
	_ =	sdelay $0x1  }
0x311: {  	v3 =	vperm.xlane v3, v2;
	v4 =	vadd.s32 v1, v4;
	_ =	sdelay $0x1  }
0x312: {  	v3 =	vadd.s32 v1, v3;
	_ =	sdelay $0x2  }
0x313: {  	[tilespmem:s17], [sflag:$0x1] =	stream.indirect_vreg.gather [hbm4b:s2+s5], $0x80, v4, vm0, $0xb8;
	[tilespmem:$0x8080] =	vst v63  }
0x314: {  	_ = 	snop  }
0x315: {  	[tilespmem:s18], [sflag:$0x1] =	stream.indirect_vreg.gather [hbm4b:s2+s5], $0x80, v3, vm0, $0xb8;
	[tilespmem:$0x8080] =	vst v63  }
0x316: {  	v3 =	vld [tilespmem:$0x20];
	_ =	sdelay $0x4  }
0x317: {  	v34 =	vshll.u32 v3, $0x1  }
0x318: {  	v3 =	vand.u32 $0x7, v3;
	v4 =	vand.u32 $0xFFFFFFF0, v34  }
0x319: {  	v3 =	vor.u32 v3, v4  }
0x31a: {  	v4 =	vperm.xlane v3, v0;
	_ =	sdelay $0x1  }
0x31b: {  	v3 =	vperm.xlane v3, v2;
	v4 =	vadd.s32 v1, v4;
	_ =	sdelay $0x1  }
0x31c: {  	v3 =	vadd.s32 v1, v3;
	_ =	sdelay $0x2  }
0x31d: {  	[tilespmem:s19], [sflag:$0x1] =	stream.indirect_vreg.gather [hbm4b:s2+s5], $0x80, v4, vm0, $0xb8;
	[tilespmem:$0x8080] =	vst v63  }
0x31e: {  	_ = 	snop  }
0x31f: {  	[tilespmem:s20], [sflag:$0x1] =	stream.indirect_vreg.gather [hbm4b:s2+s5], $0x80, v3, vm0, $0xb8;
	[tilespmem:$0x8080] =	vst v63  }
0x320: {  	v3 =	vld [tilespmem:$0x30];
	_ =	sdelay $0x4  }
0x321: {  	v35 =	vshll.u32 v3, $0x1  }
0x322: {  	v3 =	vand.u32 $0x7, v3;
	v4 =	vand.u32 $0xFFFFFFF0, v35  }
0x323: {  	v3 =	vor.u32 v3, v4  }
0x324: {  	v4 =	vperm.xlane v3, v0;
	_ =	sdelay $0x1  }
0x325: {  	v3 =	vperm.xlane v3, v2;
	v4 =	vadd.s32 v1, v4;
	_ =	sdelay $0x1  }
0x326: {  	v3 =	vadd.s32 v1, v3;
	_ =	sdelay $0x2  }
0x327: {  	[tilespmem:s21], [sflag:$0x1] =	stream.indirect_vreg.gather [hbm4b:s2+s5], $0x80, v4, vm0, $0xb8;
	[tilespmem:$0x8080] =	vst v63  }
0x328: {  	_ = 	snop  }
0x329: {  	[tilespmem:s22], [sflag:$0x1] =	stream.indirect_vreg.gather [hbm4b:s2+s5], $0x80, v3, vm0, $0xb8;
	[tilespmem:$0x8080] =	vst v63  }
0x32a: {  	v3 =	vld [tilespmem:$0x40];
	_ =	sdelay $0x4  }
0x32b: {  	v36 =	vshll.u32 v3, $0x1  }
0x32c: {  	v3 =	vand.u32 $0x7, v3;
	v4 =	vand.u32 $0xFFFFFFF0, v36  }
0x32d: {  	v3 =	vor.u32 v3, v4  }
0x32e: {  	v4 =	vperm.xlane v3, v0;
	_ =	sdelay $0x1  }
0x32f: {  	v3 =	vperm.xlane v3, v2;
	v4 =	vadd.s32 v1, v4;
	_ =	sdelay $0x1  }
0x330: {  	v3 =	vadd.s32 v1, v3;
	_ =	sdelay $0x2  }
0x331: {  	[tilespmem:s23], [sflag:$0x1] =	stream.indirect_vreg.gather [hbm4b:s2+s5], $0x80, v4, vm0, $0xb8;
	[tilespmem:$0x8080] =	vst v63  }
0x332: {  	_ = 	snop  }
0x333: {  	[tilespmem:s24], [sflag:$0x1] =	stream.indirect_vreg.gather [hbm4b:s2+s5], $0x80, v3, vm0, $0xb8;
	[tilespmem:$0x8080] =	vst v63  }
0x334: {  	v3 =	vld [tilespmem:$0x50];
	_ =	sdelay $0x4  }
0x335: {  	v37 =	vshll.u32 v3, $0x1  }
0x336: {  	v3 =	vand.u32 $0x7, v3;
	v4 =	vand.u32 $0xFFFFFFF0, v37  }
0x337: {  	v3 =	vor.u32 v3, v4  }
0x338: {  	v4 =	vperm.xlane v3, v0;
	_ =	sdelay $0x1  }
0x339: {  	v3 =	vperm.xlane v3, v2;
	v4 =	vadd.s32 v1, v4;
	_ =	sdelay $0x1  }
0x33a: {  	v3 =	vadd.s32 v1, v3;
	_ =	sdelay $0x2  }
0x33b: {  	[tilespmem:s25], [sflag:$0x1] =	stream.indirect_vreg.gather [hbm4b:s2+s5], $0x80, v4, vm0, $0xb8;
	[tilespmem:$0x8080] =	vst v63  }
0x33c: {  	_ = 	snop  }
0x33d: {  	[tilespmem:s26], [sflag:$0x1] =	stream.indirect_vreg.gather [hbm4b:s2+s5], $0x80, v3, vm0, $0xb8;
	[tilespmem:$0x8080] =	vst v63  }
0x33e: {  	v3 =	vld [tilespmem:$0x60];
	_ =	sdelay $0x4  }
0x33f: {  	v38 =	vshll.u32 v3, $0x1  }
0x340: {  	v3 =	vand.u32 $0x7, v3;
	v4 =	vand.u32 $0xFFFFFFF0, v38  }
0x341: {  	v3 =	vor.u32 v3, v4  }
0x342: {  	v4 =	vperm.xlane v3, v0;
	_ =	sdelay $0x1  }
0x343: {  	v3 =	vperm.xlane v3, v2;
	v4 =	vadd.s32 v1, v4;
	_ =	sdelay $0x1  }
0x344: {  	v3 =	vadd.s32 v1, v3;
	_ =	sdelay $0x2  }
0x345: {  	[tilespmem:s28], [sflag:$0x1] =	stream.indirect_vreg.gather [hbm4b:s2+s5], $0x80, v4, vm0, $0xb8;
	[tilespmem:$0x8080] =	vst v63  }
0x346: {  	_ = 	snop  }
0x347: {  	[tilespmem:s29], [sflag:$0x1] =	stream.indirect_vreg.gather [hbm4b:s2+s5], $0x80, v3, vm0, $0xb8;
	[tilespmem:$0x8080] =	vst v63  }
0x348: {  	v3 =	vld [tilespmem:$0x70];
	_ =	sdelay $0x4  }
0x349: {  	v39 =	vshll.u32 v3, $0x1  }
0x34a: {  	v3 =	vand.u32 $0x7, v3;
	v4 =	vand.u32 $0xFFFFFFF0, v39  }
0x34b: {  	v3 =	vor.u32 v3, v4  }
0x34c: {  	v4 =	vperm.xlane v3, v0;
	_ =	sdelay $0x1  }
0x34d: {  	v3 =	vperm.xlane v3, v2;
	v4 =	vadd.s32 v1, v4;
	_ =	sdelay $0x1  }
0x34e: {  	v3 =	vadd.s32 v1, v3;
	_ =	sdelay $0x2  }
0x34f: {  	[tilespmem:s30], [sflag:$0x1] =	stream.indirect_vreg.gather [hbm4b:s2+s5], $0x80, v4, vm0, $0xb8;
	[tilespmem:$0x8080] =	vst v63  }
0x350: {  	_ = 	snop  }
0x351: {  	[tilespmem:s31], [sflag:$0x1] =	stream.indirect_vreg.gather [hbm4b:s2+s5], $0x80, v3, vm0, $0xb8;
	[tilespmem:$0x8080] =	vst v63  }
0x352: {  	_ =	swait.ge [sflag:s3], $0x8000  }
0x353: {  	[sflag:s3] =	ssyncset.done $0x0  }
0x354: {  	[sflag:s3] =	ssyncadd.s32 $0xFFFF8000  }
0x355: {  	[hbm4b:s6+s5] =	stream.linear.scatter [tilespmem:s15], [sflag:$0x2], $0x8000, $0x38;
	[tilespmem:$0x8080] =	vst v63  }
0x356: {  	_ =	swait.ge [sflag:s14], $0x8000  }
0x357: {  	[sflag:s14] =	ssyncset.done $0x0  }
0x358: {  	[sflag:s14] =	ssyncadd.s32 $0xFFFF8000  }
0x359: {  	[tilespmem:s5], [sflag:$0x2] =	stream.linear.gather [hbm4b:s7+s5], $0x80, $0x38;
	[tilespmem:$0x8080] =	vst v63  }
0x35a: {  	_ =	swait.ge [sflag:s14], $0x80  }
0x35b: {  	[sflag:s14] =	ssyncset.done $0x0  }
0x35c: {  	[sflag:s14] =	ssyncadd.s32 $0xFFFFFF80  }
0x35d: {  	v3 =	vld [tilespmem:$0x0];
	_ =	sdelay $0x4  }
0x35e: {  	v40 =	vshll.u32 v3, $0x1  }
0x35f: {  	v3 =	vand.u32 $0x7, v3;
	v4 =	vand.u32 $0xFFFFFFF0, v40  }
0x360: {  	v3 =	vor.u32 v3, v4  }
0x361: {  	v4 =	vperm.xlane v3, v0;
	_ =	sdelay $0x1  }
0x362: {  	v3 =	vperm.xlane v3, v2;
	v4 =	vadd.s32 v1, v4;
	_ =	sdelay $0x1  }
0x363: {  	v3 =	vadd.s32 v1, v3;
	_ =	sdelay $0x2  }
0x364: {  	[tilespmem:s15], [sflag:$0x1] =	stream.indirect_vreg.gather [hbm4b:s2+s5], $0x80, v4, vm0, $0xb8;
	[tilespmem:$0x8080] =	vst v63  }
0x365: {  	_ = 	snop  }
0x366: {  	[tilespmem:s16], [sflag:$0x1] =	stream.indirect_vreg.gather [hbm4b:s2+s5], $0x80, v3, vm0, $0xb8;
	[tilespmem:$0x8080] =	vst v63  }
0x367: {  	v3 =	vld [tilespmem:$0x10];
	_ =	sdelay $0x4  }
0x368: {  	v41 =	vshll.u32 v3, $0x1  }
0x369: {  	v3 =	vand.u32 $0x7, v3;
	v4 =	vand.u32 $0xFFFFFFF0, v41  }
0x36a: {  	v3 =	vor.u32 v3, v4  }
0x36b: {  	v4 =	vperm.xlane v3, v0;
	_ =	sdelay $0x1  }
0x36c: {  	v3 =	vperm.xlane v3, v2;
	v4 =	vadd.s32 v1, v4;
	_ =	sdelay $0x1  }
0x36d: {  	v3 =	vadd.s32 v1, v3;
	_ =	sdelay $0x2  }
0x36e: {  	[tilespmem:s17], [sflag:$0x1] =	stream.indirect_vreg.gather [hbm4b:s2+s5], $0x80, v4, vm0, $0xb8;
	[tilespmem:$0x8080] =	vst v63  }
0x36f: {  	_ = 	snop  }
0x370: {  	[tilespmem:s18], [sflag:$0x1] =	stream.indirect_vreg.gather [hbm4b:s2+s5], $0x80, v3, vm0, $0xb8;
	[tilespmem:$0x8080] =	vst v63  }
0x371: {  	v3 =	vld [tilespmem:$0x20];
	_ =	sdelay $0x4  }
0x372: {  	v42 =	vshll.u32 v3, $0x1  }
0x373: {  	v3 =	vand.u32 $0x7, v3;
	v4 =	vand.u32 $0xFFFFFFF0, v42  }
0x374: {  	v3 =	vor.u32 v3, v4  }
0x375: {  	v4 =	vperm.xlane v3, v0;
	_ =	sdelay $0x1  }
0x376: {  	v3 =	vperm.xlane v3, v2;
	v4 =	vadd.s32 v1, v4;
	_ =	sdelay $0x1  }
0x377: {  	v3 =	vadd.s32 v1, v3;
	_ =	sdelay $0x2  }
0x378: {  	[tilespmem:s19], [sflag:$0x1] =	stream.indirect_vreg.gather [hbm4b:s2+s5], $0x80, v4, vm0, $0xb8;
	[tilespmem:$0x8080] =	vst v63  }
0x379: {  	_ = 	snop  }
0x37a: {  	[tilespmem:s20], [sflag:$0x1] =	stream.indirect_vreg.gather [hbm4b:s2+s5], $0x80, v3, vm0, $0xb8;
	[tilespmem:$0x8080] =	vst v63  }
0x37b: {  	v3 =	vld [tilespmem:$0x30];
	_ =	sdelay $0x4  }
0x37c: {  	v43 =	vshll.u32 v3, $0x1  }
0x37d: {  	v3 =	vand.u32 $0x7, v3;
	v4 =	vand.u32 $0xFFFFFFF0, v43  }
0x37e: {  	v3 =	vor.u32 v3, v4  }
0x37f: {  	v4 =	vperm.xlane v3, v0;
	_ =	sdelay $0x1  }
0x380: {  	v3 =	vperm.xlane v3, v2;
	v4 =	vadd.s32 v1, v4;
	_ =	sdelay $0x1  }
0x381: {  	v3 =	vadd.s32 v1, v3;
	_ =	sdelay $0x2  }
0x382: {  	[tilespmem:s21], [sflag:$0x1] =	stream.indirect_vreg.gather [hbm4b:s2+s5], $0x80, v4, vm0, $0xb8;
	[tilespmem:$0x8080] =	vst v63  }
0x383: {  	_ = 	snop  }
0x384: {  	[tilespmem:s22], [sflag:$0x1] =	stream.indirect_vreg.gather [hbm4b:s2+s5], $0x80, v3, vm0, $0xb8;
	[tilespmem:$0x8080] =	vst v63  }
0x385: {  	v3 =	vld [tilespmem:$0x40];
	_ =	sdelay $0x4  }
0x386: {  	v44 =	vshll.u32 v3, $0x1  }
0x387: {  	v3 =	vand.u32 $0x7, v3;
	v4 =	vand.u32 $0xFFFFFFF0, v44  }
0x388: {  	v3 =	vor.u32 v3, v4  }
0x389: {  	v4 =	vperm.xlane v3, v0;
	_ =	sdelay $0x1  }
0x38a: {  	v3 =	vperm.xlane v3, v2;
	v4 =	vadd.s32 v1, v4;
	_ =	sdelay $0x1  }
0x38b: {  	v3 =	vadd.s32 v1, v3;
	_ =	sdelay $0x2  }
0x38c: {  	[tilespmem:s23], [sflag:$0x1] =	stream.indirect_vreg.gather [hbm4b:s2+s5], $0x80, v4, vm0, $0xb8;
	[tilespmem:$0x8080] =	vst v63  }
0x38d: {  	_ = 	snop  }
0x38e: {  	[tilespmem:s24], [sflag:$0x1] =	stream.indirect_vreg.gather [hbm4b:s2+s5], $0x80, v3, vm0, $0xb8;
	[tilespmem:$0x8080] =	vst v63  }
0x38f: {  	v3 =	vld [tilespmem:$0x50];
	_ =	sdelay $0x4  }
0x390: {  	v45 =	vshll.u32 v3, $0x1  }
0x391: {  	v3 =	vand.u32 $0x7, v3;
	v4 =	vand.u32 $0xFFFFFFF0, v45  }
0x392: {  	v3 =	vor.u32 v3, v4  }
0x393: {  	v4 =	vperm.xlane v3, v0;
	_ =	sdelay $0x1  }
0x394: {  	v3 =	vperm.xlane v3, v2;
	v4 =	vadd.s32 v1, v4;
	_ =	sdelay $0x1  }
0x395: {  	v3 =	vadd.s32 v1, v3;
	_ =	sdelay $0x2  }
0x396: {  	[tilespmem:s25], [sflag:$0x1] =	stream.indirect_vreg.gather [hbm4b:s2+s5], $0x80, v4, vm0, $0xb8;
	[tilespmem:$0x8080] =	vst v63  }
0x397: {  	_ = 	snop  }
0x398: {  	[tilespmem:s26], [sflag:$0x1] =	stream.indirect_vreg.gather [hbm4b:s2+s5], $0x80, v3, vm0, $0xb8;
	[tilespmem:$0x8080] =	vst v63  }
0x399: {  	v3 =	vld [tilespmem:$0x60];
	_ =	sdelay $0x4  }
0x39a: {  	v46 =	vshll.u32 v3, $0x1  }
0x39b: {  	v3 =	vand.u32 $0x7, v3;
	v4 =	vand.u32 $0xFFFFFFF0, v46  }
0x39c: {  	v3 =	vor.u32 v3, v4  }
0x39d: {  	v4 =	vperm.xlane v3, v0;
	_ =	sdelay $0x1  }
0x39e: {  	v3 =	vperm.xlane v3, v2;
	v4 =	vadd.s32 v1, v4;
	_ =	sdelay $0x1  }
0x39f: {  	v3 =	vadd.s32 v1, v3;
	_ =	sdelay $0x2  }
0x3a0: {  	[tilespmem:s28], [sflag:$0x1] =	stream.indirect_vreg.gather [hbm4b:s2+s5], $0x80, v4, vm0, $0xb8;
	[tilespmem:$0x8080] =	vst v63  }
0x3a1: {  	_ = 	snop  }
0x3a2: {  	[tilespmem:s29], [sflag:$0x1] =	stream.indirect_vreg.gather [hbm4b:s2+s5], $0x80, v3, vm0, $0xb8;
	[tilespmem:$0x8080] =	vst v63  }
0x3a3: {  	v3 =	vld [tilespmem:$0x70];
	_ =	sdelay $0x4  }
0x3a4: {  	v47 =	vshll.u32 v3, $0x1  }
0x3a5: {  	v3 =	vand.u32 $0x7, v3;
	v4 =	vand.u32 $0xFFFFFFF0, v47  }
0x3a6: {  	v3 =	vor.u32 v3, v4  }
0x3a7: {  	v4 =	vperm.xlane v3, v0;
	_ =	sdelay $0x1  }
0x3a8: {  	v3 =	vperm.xlane v3, v2;
	v4 =	vadd.s32 v1, v4;
	_ =	sdelay $0x1  }
0x3a9: {  	v3 =	vadd.s32 v1, v3;
	_ =	sdelay $0x2  }
0x3aa: {  	[tilespmem:s30], [sflag:$0x1] =	stream.indirect_vreg.gather [hbm4b:s2+s5], $0x80, v4, vm0, $0xb8;
	[tilespmem:$0x8080] =	vst v63  }
0x3ab: {  	_ = 	snop  }
0x3ac: {  	[tilespmem:s31], [sflag:$0x1] =	stream.indirect_vreg.gather [hbm4b:s2+s5], $0x80, v3, vm0, $0xb8;
	[tilespmem:$0x8080] =	vst v63  }
0x3ad: {  	_ =	swait.ge [sflag:s3], $0x8000  }
0x3ae: {  	[sflag:s3] =	ssyncset.done $0x0  }
0x3af: {  	[sflag:s3] =	ssyncadd.s32 $0xFFFF8000  }
0x3b0: {  	[hbm4b:s8+s5] =	stream.linear.scatter [tilespmem:s15], [sflag:$0x2], $0x8000, $0x38;
	[tilespmem:$0x8080] =	vst v63  }
0x3b1: {  	_ =	swait.ge [sflag:s14], $0x8000  }
0x3b2: {  	[sflag:s14] =	ssyncset.done $0x0  }
0x3b3: {  	[sflag:s14] =	ssyncadd.s32 $0xFFFF8000  }
0x3b4: {  	[tilespmem:s5], [sflag:$0x2] =	stream.linear.gather [hbm4b:s9+s5], $0x80, $0x38;
	[tilespmem:$0x8080] =	vst v63  }
0x3b5: {  	_ =	swait.ge [sflag:s14], $0x80  }
0x3b6: {  	[sflag:s14] =	ssyncset.done $0x0  }
0x3b7: {  	[sflag:s14] =	ssyncadd.s32 $0xFFFFFF80  }
0x3b8: {  	v3 =	vld [tilespmem:$0x0];
	_ =	sdelay $0x4  }
0x3b9: {  	v48 =	vshll.u32 v3, $0x1  }
0x3ba: {  	v3 =	vand.u32 $0x7, v3;
	v4 =	vand.u32 $0xFFFFFFF0, v48  }
0x3bb: {  	v3 =	vor.u32 v3, v4  }
0x3bc: {  	v4 =	vperm.xlane v3, v0;
	_ =	sdelay $0x1  }
0x3bd: {  	v3 =	vperm.xlane v3, v2;
	v4 =	vadd.s32 v1, v4;
	_ =	sdelay $0x1  }
0x3be: {  	v3 =	vadd.s32 v1, v3;
	_ =	sdelay $0x2  }
0x3bf: {  	[tilespmem:s15], [sflag:$0x1] =	stream.indirect_vreg.gather [hbm4b:s2+s5], $0x80, v4, vm0, $0xb8;
	[tilespmem:$0x8080] =	vst v63  }
0x3c0: {  	_ = 	snop  }
0x3c1: {  	[tilespmem:s16], [sflag:$0x1] =	stream.indirect_vreg.gather [hbm4b:s2+s5], $0x80, v3, vm0, $0xb8;
	[tilespmem:$0x8080] =	vst v63  }
0x3c2: {  	v3 =	vld [tilespmem:$0x10];
	_ =	sdelay $0x4  }
0x3c3: {  	v49 =	vshll.u32 v3, $0x1  }
0x3c4: {  	v3 =	vand.u32 $0x7, v3;
	v4 =	vand.u32 $0xFFFFFFF0, v49  }
0x3c5: {  	v3 =	vor.u32 v3, v4  }
0x3c6: {  	v4 =	vperm.xlane v3, v0;
	_ =	sdelay $0x1  }
0x3c7: {  	v3 =	vperm.xlane v3, v2;
	v4 =	vadd.s32 v1, v4;
	_ =	sdelay $0x1  }
0x3c8: {  	v3 =	vadd.s32 v1, v3;
	_ =	sdelay $0x2  }
0x3c9: {  	[tilespmem:s17], [sflag:$0x1] =	stream.indirect_vreg.gather [hbm4b:s2+s5], $0x80, v4, vm0, $0xb8;
	[tilespmem:$0x8080] =	vst v63  }
0x3ca: {  	_ = 	snop  }
0x3cb: {  	[tilespmem:s18], [sflag:$0x1] =	stream.indirect_vreg.gather [hbm4b:s2+s5], $0x80, v3, vm0, $0xb8;
	[tilespmem:$0x8080] =	vst v63  }
0x3cc: {  	v3 =	vld [tilespmem:$0x20];
	_ =	sdelay $0x4  }
0x3cd: {  	v50 =	vshll.u32 v3, $0x1  }
0x3ce: {  	v3 =	vand.u32 $0x7, v3;
	v4 =	vand.u32 $0xFFFFFFF0, v50  }
0x3cf: {  	v3 =	vor.u32 v3, v4  }
0x3d0: {  	v4 =	vperm.xlane v3, v0;
	_ =	sdelay $0x1  }
0x3d1: {  	v3 =	vperm.xlane v3, v2;
	v4 =	vadd.s32 v1, v4;
	_ =	sdelay $0x1  }
0x3d2: {  	v3 =	vadd.s32 v1, v3;
	_ =	sdelay $0x2  }
0x3d3: {  	[tilespmem:s19], [sflag:$0x1] =	stream.indirect_vreg.gather [hbm4b:s2+s5], $0x80, v4, vm0, $0xb8;
	[tilespmem:$0x8080] =	vst v63  }
0x3d4: {  	_ = 	snop  }
0x3d5: {  	[tilespmem:s20], [sflag:$0x1] =	stream.indirect_vreg.gather [hbm4b:s2+s5], $0x80, v3, vm0, $0xb8;
	[tilespmem:$0x8080] =	vst v63  }
0x3d6: {  	v3 =	vld [tilespmem:$0x30];
	_ =	sdelay $0x4  }
0x3d7: {  	v51 =	vshll.u32 v3, $0x1  }
0x3d8: {  	v3 =	vand.u32 $0x7, v3;
	v4 =	vand.u32 $0xFFFFFFF0, v51  }
0x3d9: {  	v3 =	vor.u32 v3, v4  }
0x3da: {  	v4 =	vperm.xlane v3, v0;
	_ =	sdelay $0x1  }
0x3db: {  	v3 =	vperm.xlane v3, v2;
	v4 =	vadd.s32 v1, v4;
	_ =	sdelay $0x1  }
0x3dc: {  	v3 =	vadd.s32 v1, v3;
	_ =	sdelay $0x2  }
0x3dd: {  	[tilespmem:s21], [sflag:$0x1] =	stream.indirect_vreg.gather [hbm4b:s2+s5], $0x80, v4, vm0, $0xb8;
	[tilespmem:$0x8080] =	vst v63  }
0x3de: {  	_ = 	snop  }
0x3df: {  	[tilespmem:s22], [sflag:$0x1] =	stream.indirect_vreg.gather [hbm4b:s2+s5], $0x80, v3, vm0, $0xb8;
	[tilespmem:$0x8080] =	vst v63  }
0x3e0: {  	v3 =	vld [tilespmem:$0x40];
	_ =	sdelay $0x4  }
0x3e1: {  	v52 =	vshll.u32 v3, $0x1  }
0x3e2: {  	v3 =	vand.u32 $0x7, v3;
	v4 =	vand.u32 $0xFFFFFFF0, v52  }
0x3e3: {  	v3 =	vor.u32 v3, v4  }
0x3e4: {  	v4 =	vperm.xlane v3, v0;
	_ =	sdelay $0x1  }
0x3e5: {  	v3 =	vperm.xlane v3, v2;
	v4 =	vadd.s32 v1, v4;
	_ =	sdelay $0x1  }
0x3e6: {  	v3 =	vadd.s32 v1, v3;
	_ =	sdelay $0x2  }
0x3e7: {  	[tilespmem:s23], [sflag:$0x1] =	stream.indirect_vreg.gather [hbm4b:s2+s5], $0x80, v4, vm0, $0xb8;
	[tilespmem:$0x8080] =	vst v63  }
0x3e8: {  	_ = 	snop  }
0x3e9: {  	[tilespmem:s24], [sflag:$0x1] =	stream.indirect_vreg.gather [hbm4b:s2+s5], $0x80, v3, vm0, $0xb8;
	[tilespmem:$0x8080] =	vst v63  }
0x3ea: {  	v3 =	vld [tilespmem:$0x50];
	_ =	sdelay $0x4  }
0x3eb: {  	v53 =	vshll.u32 v3, $0x1  }
0x3ec: {  	v3 =	vand.u32 $0x7, v3;
	v4 =	vand.u32 $0xFFFFFFF0, v53  }
0x3ed: {  	v3 =	vor.u32 v3, v4  }
0x3ee: {  	v4 =	vperm.xlane v3, v0;
	_ =	sdelay $0x1  }
0x3ef: {  	v3 =	vperm.xlane v3, v2;
	v4 =	vadd.s32 v1, v4;
	_ =	sdelay $0x1  }
0x3f0: {  	v3 =	vadd.s32 v1, v3;
	_ =	sdelay $0x2  }
0x3f1: {  	[tilespmem:s25], [sflag:$0x1] =	stream.indirect_vreg.gather [hbm4b:s2+s5], $0x80, v4, vm0, $0xb8;
	[tilespmem:$0x8080] =	vst v63  }
0x3f2: {  	_ = 	snop  }
0x3f3: {  	[tilespmem:s26], [sflag:$0x1] =	stream.indirect_vreg.gather [hbm4b:s2+s5], $0x80, v3, vm0, $0xb8;
	[tilespmem:$0x8080] =	vst v63  }
0x3f4: {  	v3 =	vld [tilespmem:$0x60];
	_ =	sdelay $0x4  }
0x3f5: {  	v54 =	vshll.u32 v3, $0x1  }
0x3f6: {  	v3 =	vand.u32 $0x7, v3;
	v4 =	vand.u32 $0xFFFFFFF0, v54  }
0x3f7: {  	v3 =	vor.u32 v3, v4  }
0x3f8: {  	v4 =	vperm.xlane v3, v0;
	_ =	sdelay $0x1  }
0x3f9: {  	v3 =	vperm.xlane v3, v2;
	v4 =	vadd.s32 v1, v4;
	_ =	sdelay $0x1  }
0x3fa: {  	v3 =	vadd.s32 v1, v3;
	_ =	sdelay $0x2  }
0x3fb: {  	[tilespmem:s28], [sflag:$0x1] =	stream.indirect_vreg.gather [hbm4b:s2+s5], $0x80, v4, vm0, $0xb8;
	[tilespmem:$0x8080] =	vst v63  }
0x3fc: {  	_ = 	snop  }
0x3fd: {  	[tilespmem:s29], [sflag:$0x1] =	stream.indirect_vreg.gather [hbm4b:s2+s5], $0x80, v3, vm0, $0xb8;
	[tilespmem:$0x8080] =	vst v63  }
0x3fe: {  	v3 =	vld [tilespmem:$0x70];
	_ =	sdelay $0x4  }
0x3ff: {  	v55 =	vshll.u32 v3, $0x1  }
0x400: {  	v3 =	vand.u32 $0x7, v3;
	v4 =	vand.u32 $0xFFFFFFF0, v55  }
0x401: {  	v3 =	vor.u32 v3, v4  }
0x402: {  	v4 =	vperm.xlane v3, v0;
	_ =	sdelay $0x1  }
0x403: {  	v3 =	vperm.xlane v3, v2;
	v4 =	vadd.s32 v1, v4;
	_ =	sdelay $0x1  }
0x404: {  	v3 =	vadd.s32 v1, v3;
	_ =	sdelay $0x2  }
0x405: {  	[tilespmem:s30], [sflag:$0x1] =	stream.indirect_vreg.gather [hbm4b:s2+s5], $0x80, v4, vm0, $0xb8;
	[tilespmem:$0x8080] =	vst v63  }
0x406: {  	_ = 	snop  }
0x407: {  	[tilespmem:s31], [sflag:$0x1] =	stream.indirect_vreg.gather [hbm4b:s2+s5], $0x80, v3, vm0, $0xb8;
	[tilespmem:$0x8080] =	vst v63  }
0x408: {  	_ =	swait.ge [sflag:s3], $0x8000  }
0x409: {  	[sflag:s3] =	ssyncset.done $0x0  }
0x40a: {  	[sflag:s3] =	ssyncadd.s32 $0xFFFF8000  }
0x40b: {  	[hbm4b:s10+s5] =	stream.linear.scatter [tilespmem:s15], [sflag:$0x2], $0x8000, $0x38;
	[tilespmem:$0x8080] =	vst v63  }
0x40c: {  	_ =	swait.ge [sflag:s14], $0x8000  }
0x40d: {  	[sflag:s14] =	ssyncset.done $0x0  }
0x40e: {  	[sflag:s14] =	ssyncadd.s32 $0xFFFF8000  }
0x40f: {  	[tilespmem:s5], [sflag:$0x2] =	stream.linear.gather [hbm4b:s11+s5], $0x80, $0x38;
	[tilespmem:$0x8080] =	vst v63  }
0x410: {  	_ =	swait.ge [sflag:s14], $0x80  }
0x411: {  	[sflag:s14] =	ssyncset.done $0x0  }
0x412: {  	[sflag:s14] =	ssyncadd.s32 $0xFFFFFF80  }
0x413: {  	v3 =	vld [tilespmem:$0x0];
	_ =	sdelay $0x4  }
0x414: {  	v56 =	vshll.u32 v3, $0x1  }
0x415: {  	v3 =	vand.u32 $0x7, v3;
	v4 =	vand.u32 $0xFFFFFFF0, v56  }
0x416: {  	v3 =	vor.u32 v3, v4  }
0x417: {  	v4 =	vperm.xlane v3, v0;
	_ =	sdelay $0x1  }
0x418: {  	v3 =	vperm.xlane v3, v2;
	v4 =	vadd.s32 v1, v4;
	_ =	sdelay $0x1  }
0x419: {  	v3 =	vadd.s32 v1, v3;
	_ =	sdelay $0x2  }
0x41a: {  	[tilespmem:s15], [sflag:$0x1] =	stream.indirect_vreg.gather [hbm4b:s2+s5], $0x80, v4, vm0, $0xb8;
	[tilespmem:$0x8080] =	vst v63  }
0x41b: {  	_ = 	snop  }
0x41c: {  	[tilespmem:s16], [sflag:$0x1] =	stream.indirect_vreg.gather [hbm4b:s2+s5], $0x80, v3, vm0, $0xb8;
	[tilespmem:$0x8080] =	vst v63  }
0x41d: {  	v3 =	vld [tilespmem:$0x10];
	_ =	sdelay $0x4  }
0x41e: {  	v57 =	vshll.u32 v3, $0x1  }
0x41f: {  	v3 =	vand.u32 $0x7, v3;
	v4 =	vand.u32 $0xFFFFFFF0, v57  }
0x420: {  	v3 =	vor.u32 v3, v4  }
0x421: {  	v4 =	vperm.xlane v3, v0;
	_ =	sdelay $0x1  }
0x422: {  	v3 =	vperm.xlane v3, v2;
	v4 =	vadd.s32 v1, v4;
	_ =	sdelay $0x1  }
0x423: {  	v3 =	vadd.s32 v1, v3;
	_ =	sdelay $0x2  }
0x424: {  	[tilespmem:s17], [sflag:$0x1] =	stream.indirect_vreg.gather [hbm4b:s2+s5], $0x80, v4, vm0, $0xb8;
	[tilespmem:$0x8080] =	vst v63  }
0x425: {  	_ = 	snop  }
0x426: {  	[tilespmem:s18], [sflag:$0x1] =	stream.indirect_vreg.gather [hbm4b:s2+s5], $0x80, v3, vm0, $0xb8;
	[tilespmem:$0x8080] =	vst v63  }
0x427: {  	v3 =	vld [tilespmem:$0x20];
	_ =	sdelay $0x4  }
0x428: {  	v58 =	vshll.u32 v3, $0x1  }
0x429: {  	v3 =	vand.u32 $0x7, v3;
	v4 =	vand.u32 $0xFFFFFFF0, v58  }
0x42a: {  	v3 =	vor.u32 v3, v4  }
0x42b: {  	v4 =	vperm.xlane v3, v0;
	_ =	sdelay $0x1  }
0x42c: {  	v3 =	vperm.xlane v3, v2;
	v4 =	vadd.s32 v1, v4;
	_ =	sdelay $0x1  }
0x42d: {  	v3 =	vadd.s32 v1, v3;
	_ =	sdelay $0x2  }
0x42e: {  	[tilespmem:s19], [sflag:$0x1] =	stream.indirect_vreg.gather [hbm4b:s2+s5], $0x80, v4, vm0, $0xb8;
	[tilespmem:$0x8080] =	vst v63  }
0x42f: {  	_ = 	snop  }
0x430: {  	[tilespmem:s20], [sflag:$0x1] =	stream.indirect_vreg.gather [hbm4b:s2+s5], $0x80, v3, vm0, $0xb8;
	[tilespmem:$0x8080] =	vst v63  }
0x431: {  	v3 =	vld [tilespmem:$0x30];
	_ =	sdelay $0x4  }
0x432: {  	v59 =	vshll.u32 v3, $0x1  }
0x433: {  	v3 =	vand.u32 $0x7, v3;
	v4 =	vand.u32 $0xFFFFFFF0, v59  }
0x434: {  	v3 =	vor.u32 v3, v4  }
0x435: {  	v4 =	vperm.xlane v3, v0;
	_ =	sdelay $0x1  }
0x436: {  	v3 =	vperm.xlane v3, v2;
	v4 =	vadd.s32 v1, v4;
	_ =	sdelay $0x1  }
0x437: {  	v3 =	vadd.s32 v1, v3;
	_ =	sdelay $0x2  }
0x438: {  	[tilespmem:s21], [sflag:$0x1] =	stream.indirect_vreg.gather [hbm4b:s2+s5], $0x80, v4, vm0, $0xb8;
	[tilespmem:$0x8080] =	vst v63  }
0x439: {  	_ = 	snop  }
0x43a: {  	[tilespmem:s22], [sflag:$0x1] =	stream.indirect_vreg.gather [hbm4b:s2+s5], $0x80, v3, vm0, $0xb8;
	[tilespmem:$0x8080] =	vst v63  }
0x43b: {  	v3 =	vld [tilespmem:$0x40];
	_ =	sdelay $0x4  }
0x43c: {  	v60 =	vshll.u32 v3, $0x1  }
0x43d: {  	v3 =	vand.u32 $0x7, v3;
	v4 =	vand.u32 $0xFFFFFFF0, v60  }
0x43e: {  	v3 =	vor.u32 v3, v4  }
0x43f: {  	v4 =	vperm.xlane v3, v0;
	_ =	sdelay $0x1  }
0x440: {  	v3 =	vperm.xlane v3, v2;
	v4 =	vadd.s32 v1, v4;
	_ =	sdelay $0x1  }
0x441: {  	v3 =	vadd.s32 v1, v3;
	_ =	sdelay $0x2  }
0x442: {  	[tilespmem:s23], [sflag:$0x1] =	stream.indirect_vreg.gather [hbm4b:s2+s5], $0x80, v4, vm0, $0xb8;
	[tilespmem:$0x8080] =	vst v63  }
0x443: {  	_ = 	snop  }
0x444: {  	[tilespmem:s24], [sflag:$0x1] =	stream.indirect_vreg.gather [hbm4b:s2+s5], $0x80, v3, vm0, $0xb8;
	[tilespmem:$0x8080] =	vst v63  }
0x445: {  	v3 =	vld [tilespmem:$0x50];
	_ =	sdelay $0x4  }
0x446: {  	v61 =	vshll.u32 v3, $0x1  }
0x447: {  	v3 =	vand.u32 $0x7, v3;
	v4 =	vand.u32 $0xFFFFFFF0, v61  }
0x448: {  	v3 =	vor.u32 v3, v4  }
0x449: {  	v4 =	vperm.xlane v3, v0;
	_ =	sdelay $0x1  }
0x44a: {  	v3 =	vperm.xlane v3, v2;
	v4 =	vadd.s32 v1, v4;
	_ =	sdelay $0x1  }
0x44b: {  	v3 =	vadd.s32 v1, v3;
	_ =	sdelay $0x2  }
0x44c: {  	[tilespmem:s25], [sflag:$0x1] =	stream.indirect_vreg.gather [hbm4b:s2+s5], $0x80, v4, vm0, $0xb8;
	[tilespmem:$0x8080] =	vst v63  }
0x44d: {  	_ = 	snop  }
0x44e: {  	[tilespmem:s26], [sflag:$0x1] =	stream.indirect_vreg.gather [hbm4b:s2+s5], $0x80, v3, vm0, $0xb8;
	[tilespmem:$0x8080] =	vst v63  }
0x44f: {  	v3 =	vld [tilespmem:$0x60];
	_ =	sdelay $0x4  }
0x450: {  	v62 =	vshll.u32 v3, $0x1  }
0x451: {  	v3 =	vand.u32 $0x7, v3;
	v4 =	vand.u32 $0xFFFFFFF0, v62  }
0x452: {  	v3 =	vor.u32 v3, v4  }
0x453: {  	v4 =	vperm.xlane v3, v0;
	_ =	sdelay $0x1  }
0x454: {  	v3 =	vperm.xlane v3, v2;
	v4 =	vadd.s32 v1, v4;
	_ =	sdelay $0x1  }
0x455: {  	v3 =	vadd.s32 v1, v3;
	_ =	sdelay $0x2  }
0x456: {  	[tilespmem:s28], [sflag:$0x1] =	stream.indirect_vreg.gather [hbm4b:s2+s5], $0x80, v4, vm0, $0xb8;
	[tilespmem:$0x8080] =	vst v63  }
0x457: {  	_ = 	snop  }
0x458: {  	[tilespmem:s29], [sflag:$0x1] =	stream.indirect_vreg.gather [hbm4b:s2+s5], $0x80, v3, vm0, $0xb8;
	[tilespmem:$0x8080] =	vst v63  }
0x459: {  	v3 =	vld [tilespmem:$0x70];
	_ =	sdelay $0x4  }
0x45a: {  	v63 =	vshll.u32 v3, $0x1  }
0x45b: {  	v3 =	vand.u32 $0x7, v3;
	v4 =	vand.u32 $0xFFFFFFF0, v63  }
0x45c: {  	v3 =	vor.u32 v3, v4  }
0x45d: {  	v4 =	vperm.xlane v3, v0;
	_ =	sdelay $0x1  }
0x45e: {  	v3 =	vperm.xlane v3, v2;
	v4 =	vadd.s32 v1, v4;
	_ =	sdelay $0x1  }
0x45f: {  	v3 =	vadd.s32 v1, v3;
	_ =	sdelay $0x2  }
0x460: {  	[tilespmem:s30], [sflag:$0x1] =	stream.indirect_vreg.gather [hbm4b:s2+s5], $0x80, v4, vm0, $0xb8;
	[tilespmem:$0x8080] =	vst v63  }
0x461: {  	_ = 	snop  }
0x462: {  	[tilespmem:s31], [sflag:$0x1] =	stream.indirect_vreg.gather [hbm4b:s2+s5], $0x80, v3, vm0, $0xb8;
	[tilespmem:$0x8080] =	vst v63  }
0x463: {  	_ =	swait.ge [sflag:s3], $0x8000  }
0x464: {  	p0 =	sne.s32 s13, $0x1;
	[sflag:s3] =	ssyncset.done $0x0  }
.Ltmp0:
0x465: {  	[sflag:s3] =	ssyncadd.s32 $0xFFFF8000;
	(pc) =	sbr.rel @p0 .LBB2_1-.Ltmp0, $4  }
0x466: {  	[hbm4b:s12+s5] =	stream.linear.scatter [tilespmem:s15], [sflag:$0x2], $0x8000, $0x38;
	[tilespmem:$0x8080] =	vst v63  }
0x467: {  	_ =	swait.ge [sflag:s14], $0x8000  }
0x468: {  	[sflag:s14] =	ssyncset.done $0x0  }
0x469: {  	s13 =	sadd.s32 $0xFFFFFFFF, s13;
	[sflag:s14] =	ssyncadd.s32 $0xFFFF8000  }
0x46a: {  	_ =	sfence.sel $0x180000  }
0x46b: {  	[bflag:$0x0] =	sbarrier.arrive $0xFFFF  }
0x46c: {  	_ =	strace $0x90000047  }
0x46d: {  	s0 =	stileid.u32;
	[bflag:$0x2] =	sbarrier.arrive $0xFFFF  }
0x46e: {  	p0 =	sne.s32 s0, $0x0;
	s0 =	rddreg [dreg:$0x8]  }
0x46f: {  	s0 =	sadd.s32 @!p0 $0x100000, s0  }
0x470: {  	[sflag:s0] =	ssyncadd.tile.s32 @!p0 $0x1;
	_ =	shalt  }
.Lfunc_end2:
_tile_overlayer_lowered:
.L_overlay_start_2:
0x471: {  	(tag) =	ssettag $0x2  }
0x472: {  	s0 =	rddreg [dreg:$0x0];
	s2 =	stileid.u32  }
0x473: {  	s1 =	rddreg [dreg:$0x1];
	p0 =	sne.s32 s2, $0x0  }
0x474: {  	s3 =	rddreg [dreg:$0x2];
	[bflag:$0x3] =	sbarrier.arrive $0xFFFF;
	s2 =	simm.s32 @!p0 $0x1C02  }
0x475: {  	[timem:s3], [sflag:s2] =	dma.local @!p0 [hbm:s0], s1  }
0x476: {  	s0 =	simm.s32 @!p0 $0x2  }
0x477: {  	_ =	swait.ge @!p0 [sflag:s0], s1  }
0x478: {  	s1 =	ssub.s32 @!p0 $0x0, s1;
	[sflag:s0] =	ssyncset.done @!p0 $0x0  }
0x479: {  	[sflag:s0] =	ssyncadd.s32 @!p0 s1  }
0x47a: {  	[bflag:$0x3] =	sbarrier.arrive $0xFFFF  }
0x47b: {  	_ =	shalt  }

</sc_bundles>
